<compile_context>
chip_gen: v7x
topology: tpu7x:2x2x1
jax: 0.10.2.dev20260603
libtpu: 0.0.44.dev20260713+nightly
codegen_flags: <defaults>
</compile_context>

<pallas_src>
import jax
import jax.numpy as jnp
from jax import lax
from jax.experimental import pallas as pl
from jax.experimental.pallas import tpu as pltpu
from jax.experimental.pallas import tpu_sc as plsc

D_MODEL = 128
SCALE = D_MODEL ** 0.5
NUM_CORES = 2
NUM_SUBCORES = 16
NUM_WORKERS = NUM_CORES * NUM_SUBCORES
BATCH = 4096
SEQ = 50
TOTAL_ROWS = BATCH * SEQ
ROWS_PER_WORKER = TOTAL_ROWS // NUM_WORKERS
CHUNK = 128
NCHUNK = ROWS_PER_WORKER // CHUNK
LANES = 16


NBUF = 3


def _emb_body(x_hbm, lut_hbm, out_hbm, idx_v, in0, in1, in2, o0, o1, o2,
              g0, g1, g2, s0, s1, s2):
    ins = (in0, in1, in2)
    outs = (o0, o1, o2)
    gsems = (g0, g1, g2)
    ssems = (s0, s1, s2)
    wid = lax.axis_index("s") * NUM_CORES + lax.axis_index("c")
    base = wid * ROWS_PER_WORKER

    pltpu.sync_copy(x_hbm.at[wid], idx_v)

    for b in range(NBUF):
        pltpu.make_async_copy(lut_hbm.at[idx_v.at[b]], ins[b], gsems[b]).start()

    @pl.loop(0, NBUF * pl.cdiv(NCHUNK, NBUF), step=NBUF)
    def _chunks(g):
        for b in range(NBUF):
            j = g + b

            @pl.when(j < NCHUNK)
            def _body():
                pltpu.make_async_copy(
                    lut_hbm.at[idx_v.at[b]], ins[b], gsems[b]).wait()

                @pl.when(j >= NBUF)
                def _drain():
                    pltpu.make_async_copy(
                        outs[b], out_hbm.at[pl.ds(base, CHUNK)],
                        ssems[b]).wait()

                @plsc.parallel_loop(0, CHUNK, unroll=2)
                def _scale(r):
                    for c in range(D_MODEL // LANES):
                        sl = pl.ds(c * LANES, LANES)
                        outs[b][r, sl] = ins[b][r, sl] * jnp.float32(SCALE)

                @pl.when(j + NBUF < NCHUNK)
                def _refill():
                    pltpu.make_async_copy(
                        lut_hbm.at[idx_v.at[j + NBUF]], ins[b],
                        gsems[b]).start()

                pltpu.make_async_copy(
                    outs[b], out_hbm.at[pl.ds(base + j * CHUNK, CHUNK)],
                    ssems[b]).start()

    for b in range(NBUF):
        pltpu.make_async_copy(
            outs[b], out_hbm.at[pl.ds(base, CHUNK)], ssems[b]).wait()


_emb = pl.kernel(
    _emb_body,
    out_type=jax.ShapeDtypeStruct((TOTAL_ROWS, D_MODEL), jnp.float32),
    mesh=plsc.VectorSubcoreMesh(core_axis_name="c", subcore_axis_name="s"),
    scratch_types=(
        [pltpu.VMEM((NCHUNK, CHUNK), jnp.int32)]
        + [pltpu.VMEM((CHUNK, D_MODEL), jnp.float32)] * NBUF
        + [pltpu.VMEM((CHUNK, D_MODEL), jnp.float32)] * NBUF
        + [pltpu.SemaphoreType.DMA] * (2 * NBUF)
    ),
)


@jax.jit
def kernel(x, lut):
    xt = jnp.swapaxes(x.astype(jnp.int32), 0, 1)
    xr = xt.reshape(NUM_WORKERS, NCHUNK, CHUNK)
    out = _emb(xr, lut)
    return jnp.swapaxes(out.reshape(SEQ, BATCH, D_MODEL), 0, 1)

# --- scband reference (transcript-rebuilt; emitter-appended) ---
"""Pipeline reference for scband-embeddings-55877524521347 (READ-ONLY COPY).

The authoritative reference and input builder live on the scoring server;
editing this copy changes nothing except your own understanding.
"""

import math
import jax, jax.numpy as jnp
import numpy as np

D_MODEL = 128
VOCAB = 100000

def setup_inputs(seed: int = 0) -> dict:
    key = jax.random.key(seed)
    k1, k2 = jax.random.split(key)
    x = jax.random.randint(k1, (4096, 50), 0, VOCAB, dtype=jnp.int64 if jax.config.read('jax_enable_x64') else jnp.int32)
    lut = jax.random.normal(k2, (VOCAB, D_MODEL), dtype=jnp.float32) * 0.02
    return {"x": x, "lut": lut}

def reference(x, lut):
    # Embeddings.forward: self.lut(x) * math.sqrt(self.d_model)
    emb = jnp.take(lut, x, axis=0)
    return emb * math.sqrt(D_MODEL)

if __name__ == "__main__":
    import jax
    _d = setup_inputs()
    print(jax.jit(kernel)(*tuple(_d.values())))

</pallas_src>

<mosaic_0001>
#map = affine_map<(d0, d1) -> (0, 0, 0)>
#map1 = affine_map<(d0, d1) -> (0, 0)>
module attributes {stable_mosaic.version = 14 : i64} {
  func.func @_emb_body(%arg0: i32, %arg1: i32, %arg2: memref<32x50x128xi32, #tpu.memory_space<hbm>>, %arg3: memref<100000x128xf32, #tpu.memory_space<hbm>>, %arg4: memref<204800x128xf32, #tpu.memory_space<hbm>>, %arg5: memref<50x128xi32, #tpu.memory_space<vmem>>, %arg6: memref<128x128xf32, #tpu.memory_space<vmem>>, %arg7: memref<128x128xf32, #tpu.memory_space<vmem>>, %arg8: memref<128x128xf32, #tpu.memory_space<vmem>>, %arg9: memref<128x128xf32, #tpu.memory_space<vmem>>, %arg10: memref<128x128xf32, #tpu.memory_space<vmem>>, %arg11: memref<128x128xf32, #tpu.memory_space<vmem>>, %arg12: memref<!tpu.dma_semaphore, #tpu.memory_space<semaphore_mem>>, %arg13: memref<!tpu.dma_semaphore, #tpu.memory_space<semaphore_mem>>, %arg14: memref<!tpu.dma_semaphore, #tpu.memory_space<semaphore_mem>>, %arg15: memref<!tpu.dma_semaphore, #tpu.memory_space<semaphore_mem>>, %arg16: memref<!tpu.dma_semaphore, #tpu.memory_space<semaphore_mem>>, %arg17: memref<!tpu.dma_semaphore, #tpu.memory_space<semaphore_mem>>) attributes {dimension_semantics = [#tpu.dimension_semantics<core_parallel>, #tpu.dimension_semantics<subcore_parallel>], iteration_bounds = array<i64: 2, 16>, scalar_prefetch = 0 : i64, scratch_operands = 13 : i64, tpu.core_type = #tpu.core_type<sc_vector_subcore>, window_params = [{transform_indices = #map}, {transform_indices = #map1}, {transform_indices = #map1}]} {
    %mul3A = arith.constant 2 : i32
    %mul3A_0 = arith.muli %arg1, %mul3A : i32
    %add3A = arith.addi %mul3A_0, %arg0 : i32
    %mul3A_1 = arith.constant 6400 : i32
    %mul3A_2 = arith.muli %add3A, %mul3A_1 : i32
    "tpu.region"() ({
      %run_scoped3A = tpu.sem_alloc : memref<!tpu.dma_semaphore, #tpu.memory_space<semaphore_mem>>
      %dma_start3A_38 = arith.constant 0 : i32
      %dma_start3A_39 = arith.constant 0 : i32
      %dma_start3A_40 = tpu.memref_slice %arg2[%add3A, %dma_start3A_38, %dma_start3A_39] : memref<32x50x128xi32, #tpu.memory_space<hbm>> -> memref<1x50x128xi32, #tpu.memory_space<hbm>>
      %dma_start3A_41 = tpu.memref_squeeze %dma_start3A_40 : memref<1x50x128xi32, #tpu.memory_space<hbm>> -> memref<50x128xi32, #tpu.memory_space<hbm>>
      %dma_start3A_42 = arith.constant 0 : i32
      %dma_start3A_43 = arith.constant 0 : i32
      %dma_start3A_44 = tpu.memref_slice %arg2[%add3A, %dma_start3A_42, %dma_start3A_43] : memref<32x50x128xi32, #tpu.memory_space<hbm>> -> memref<1x50x128xi32, #tpu.memory_space<hbm>>
      %dma_start3A_45 = tpu.memref_squeeze %dma_start3A_44 : memref<1x50x128xi32, #tpu.memory_space<hbm>> -> memref<50x128xi32, #tpu.memory_space<hbm>>
      tpu.enqueue_dma source(%dma_start3A_45 : memref<50x128xi32, #tpu.memory_space<hbm>>) target(%arg5 : memref<50x128xi32, #tpu.memory_space<vmem>>) target_semaphore(%run_scoped3A : memref<!tpu.dma_semaphore, #tpu.memory_space<semaphore_mem>>)
      %dma_wait3A_46 = arith.constant 0 : i32
      %dma_wait3A_47 = arith.constant 0 : i32
      %dma_wait3A_48 = tpu.memref_slice %arg2[%add3A, %dma_wait3A_46, %dma_wait3A_47] : memref<32x50x128xi32, #tpu.memory_space<hbm>> -> memref<1x50x128xi32, #tpu.memory_space<hbm>>
      %dma_wait3A_49 = tpu.memref_squeeze %dma_wait3A_48 : memref<1x50x128xi32, #tpu.memory_space<hbm>> -> memref<50x128xi32, #tpu.memory_space<hbm>>
      %dma_wait3A_50 = arith.constant 0 : i32
      %dma_wait3A_51 = arith.constant 0 : i32
      %dma_wait3A_52 = tpu.memref_slice %arg2[%add3A, %dma_wait3A_50, %dma_wait3A_51] : memref<32x50x128xi32, #tpu.memory_space<hbm>> -> memref<1x50x128xi32, #tpu.memory_space<hbm>>
      %dma_wait3A_53 = tpu.memref_squeeze %dma_wait3A_52 : memref<1x50x128xi32, #tpu.memory_space<hbm>> -> memref<50x128xi32, #tpu.memory_space<hbm>>
      tpu.wait_dma2 semaphore(%run_scoped3A : memref<!tpu.dma_semaphore, #tpu.memory_space<semaphore_mem>>) src(%dma_wait3A_53 : memref<50x128xi32, #tpu.memory_space<hbm>>) dst(%arg5 : memref<50x128xi32, #tpu.memory_space<vmem>>)
      tpu.yield
    }) : () -> ()
    %dma_start3A = arith.constant 0 : i32
    %dma_start3A_3 = arith.constant 0 : i32
    %dma_start3A_4 = tpu.memref_slice %arg5[%dma_start3A, %dma_start3A_3] : memref<50x128xi32, #tpu.memory_space<vmem>> -> memref<1x128xi32, #tpu.memory_space<vmem>>
    %dma_start3A_5 = tpu.memref_squeeze %dma_start3A_4 : memref<1x128xi32, #tpu.memory_space<vmem>> -> memref<128xi32, #tpu.memory_space<vmem>>
    %dma_start3A_6 = arith.constant 0 : i32
    %dma_start3A_7 = arith.constant 0 : i32
    %dma_start3A_8 = tpu.memref_slice %arg3[%dma_start3A_6, %dma_start3A_7] : memref<100000x128xf32, #tpu.memory_space<hbm>> -> memref<100000x128xf32, #tpu.memory_space<hbm>>
    tpu.enqueue_indirect_dma source(%dma_start3A_8 : memref<100000x128xf32, #tpu.memory_space<hbm>>) target(%arg6 : memref<128x128xf32, #tpu.memory_space<vmem>>) offsets(%dma_start3A_5 : memref<128xi32, #tpu.memory_space<vmem>>) semaphore(%arg12 : memref<!tpu.dma_semaphore, #tpu.memory_space<semaphore_mem>>)
    %dma_start3A_9 = arith.constant 1 : i32
    %dma_start3A_10 = arith.constant 0 : i32
    %dma_start3A_11 = tpu.memref_slice %arg5[%dma_start3A_9, %dma_start3A_10] : memref<50x128xi32, #tpu.memory_space<vmem>> -> memref<1x128xi32, #tpu.memory_space<vmem>>
    %dma_start3A_12 = tpu.memref_squeeze %dma_start3A_11 : memref<1x128xi32, #tpu.memory_space<vmem>> -> memref<128xi32, #tpu.memory_space<vmem>>
    %dma_start3A_13 = arith.constant 0 : i32
    %dma_start3A_14 = arith.constant 0 : i32
    %dma_start3A_15 = tpu.memref_slice %arg3[%dma_start3A_13, %dma_start3A_14] : memref<100000x128xf32, #tpu.memory_space<hbm>> -> memref<100000x128xf32, #tpu.memory_space<hbm>>
    tpu.enqueue_indirect_dma source(%dma_start3A_15 : memref<100000x128xf32, #tpu.memory_space<hbm>>) target(%arg7 : memref<128x128xf32, #tpu.memory_space<vmem>>) offsets(%dma_start3A_12 : memref<128xi32, #tpu.memory_space<vmem>>) semaphore(%arg13 : memref<!tpu.dma_semaphore, #tpu.memory_space<semaphore_mem>>)
    %dma_start3A_16 = arith.constant 2 : i32
    %dma_start3A_17 = arith.constant 0 : i32
    %dma_start3A_18 = tpu.memref_slice %arg5[%dma_start3A_16, %dma_start3A_17] : memref<50x128xi32, #tpu.memory_space<vmem>> -> memref<1x128xi32, #tpu.memory_space<vmem>>
    %dma_start3A_19 = tpu.memref_squeeze %dma_start3A_18 : memref<1x128xi32, #tpu.memory_space<vmem>> -> memref<128xi32, #tpu.memory_space<vmem>>
    %dma_start3A_20 = arith.constant 0 : i32
    %dma_start3A_21 = arith.constant 0 : i32
    %dma_start3A_22 = tpu.memref_slice %arg3[%dma_start3A_20, %dma_start3A_21] : memref<100000x128xf32, #tpu.memory_space<hbm>> -> memref<100000x128xf32, #tpu.memory_space<hbm>>
    tpu.enqueue_indirect_dma source(%dma_start3A_22 : memref<100000x128xf32, #tpu.memory_space<hbm>>) target(%arg8 : memref<128x128xf32, #tpu.memory_space<vmem>>) offsets(%dma_start3A_19 : memref<128xi32, #tpu.memory_space<vmem>>) semaphore(%arg14 : memref<!tpu.dma_semaphore, #tpu.memory_space<semaphore_mem>>)
    %scan3A = arith.constant 0 : i32
    %scan3A_23 = arith.constant 17 : i32
    %scan3A_24 = arith.addi %scan3A, %scan3A_23 : i32
    %scan3A_25 = arith.constant 1 : i32
    scf.for %scan3A_38 = %scan3A to %scan3A_24 step %scan3A_25  : i32 {
      %mul3A_39 = arith.constant 3 : i32
      %mul3A_40 = arith.muli %scan3A_38, %mul3A_39 : i32
      %add3A_41 = arith.constant 0 : i32
      %add3A_42 = arith.addi %add3A_41, %mul3A_40 : i32
      %add3A_43 = arith.constant 0 : i32
      %add3A_44 = arith.addi %add3A_42, %add3A_43 : i32
      %lt3A = arith.constant 50 : i32
      %lt3A_45 = arith.cmpi slt, %add3A_44, %lt3A : i32
      %convert_element_type3A = arith.extui %lt3A_45 : i1 to i32
      %cond3A = arith.constant 0 : i32
      %cond3A_46 = arith.cmpi ne, %convert_element_type3A, %cond3A : i32
      scf.if %cond3A_46 {
        %dma_wait3A_61 = arith.constant 0 : i32
        %dma_wait3A_62 = arith.constant 0 : i32
        %dma_wait3A_63 = tpu.memref_slice %arg5[%dma_wait3A_61, %dma_wait3A_62] : memref<50x128xi32, #tpu.memory_space<vmem>> -> memref<1x128xi32, #tpu.memory_space<vmem>>
        %dma_wait3A_64 = tpu.memref_squeeze %dma_wait3A_63 : memref<1x128xi32, #tpu.memory_space<vmem>> -> memref<128xi32, #tpu.memory_space<vmem>>
        %dma_wait3A_65 = arith.constant 0 : i32
        %dma_wait3A_66 = arith.constant 0 : i32
        %dma_wait3A_67 = tpu.memref_slice %arg3[%dma_wait3A_65, %dma_wait3A_66] : memref<100000x128xf32, #tpu.memory_space<hbm>> -> memref<100000x128xf32, #tpu.memory_space<hbm>>
        tpu.wait_indirect_dma semaphore(%arg12 : memref<!tpu.dma_semaphore, #tpu.memory_space<semaphore_mem>>) src(%dma_wait3A_67 : memref<100000x128xf32, #tpu.memory_space<hbm>>) dst(%arg6 : memref<128x128xf32, #tpu.memory_space<vmem>>)
        %ge3A = arith.constant 3 : i32
        %ge3A_68 = arith.cmpi sge, %add3A_44, %ge3A : i32
        %convert_element_type3A_69 = arith.extui %ge3A_68 : i1 to i32
        %cond3A_70 = arith.constant 0 : i32
        %cond3A_71 = arith.cmpi ne, %convert_element_type3A_69, %cond3A_70 : i32
        scf.if %cond3A_71 {
          %dma_wait3A_88 = arith.constant 0 : i32
          %dma_wait3A_89 = tpu.memref_slice %arg4[%mul3A_2, %dma_wait3A_88] : memref<204800x128xf32, #tpu.memory_space<hbm>> -> memref<128x128xf32, #tpu.memory_space<hbm>>
          %dma_wait3A_90 = arith.constant 0 : i32
          %dma_wait3A_91 = tpu.memref_slice %arg4[%mul3A_2, %dma_wait3A_90] : memref<204800x128xf32, #tpu.memory_space<hbm>> -> memref<128x128xf32, #tpu.memory_space<hbm>>
          tpu.wait_dma2 semaphore(%arg15 : memref<!tpu.dma_semaphore, #tpu.memory_space<semaphore_mem>>) src(%arg9 : memref<128x128xf32, #tpu.memory_space<vmem>>) dst(%dma_wait3A_91 : memref<128x128xf32, #tpu.memory_space<hbm>>)
        } else {
        }
        %parallel_loop3A = arith.constant 0 : i32
        %parallel_loop3A_72 = arith.constant 128 : i32
        %parallel_loop3A_73 = arith.constant 1 : i32
        scf.for %parallel_loop3A_88 = %parallel_loop3A to %parallel_loop3A_72 step %parallel_loop3A_73  : i32 {
          %parallel_loop3A_89 = arith.index_cast %parallel_loop3A_88 : i32 to index
          %parallel_loop3A_90 = arith.constant 0 : index
          %parallel_loop3A_91 = tpu.vector_load %arg6[%parallel_loop3A_89, %parallel_loop3A_90] {strides = array<i32>} : memref<128x128xf32, #tpu.memory_space<vmem>>, vector<1x16xf32>,
          %parallel_loop3A_92 = vector.shape_cast %parallel_loop3A_91 : vector<1x16xf32> to vector<16xf32>
          %parallel_loop3A_93 = arith.constant 11.3137083 : f32
          %parallel_loop3A_94 = vector.broadcast %parallel_loop3A_93 : f32 to vector<16xf32>
          %parallel_loop3A_95 = arith.mulf %parallel_loop3A_92, %parallel_loop3A_94 : vector<16xf32>
          %parallel_loop3A_96 = arith.index_cast %parallel_loop3A_88 : i32 to index
          %parallel_loop3A_97 = arith.constant 0 : index
          %parallel_loop3A_98 = tpu.vector_load %arg9[%parallel_loop3A_96, %parallel_loop3A_97] {strides = array<i32>} : memref<128x128xf32, #tpu.memory_space<vmem>>, vector<1x16xf32>,
          %parallel_loop3A_99 = vector.shape_cast %parallel_loop3A_98 : vector<1x16xf32> to vector<16xf32>
          %parallel_loop3A_100 = vector.shape_cast %parallel_loop3A_95 : vector<16xf32> to vector<1x16xf32>
          tpu.vector_store %arg9[%parallel_loop3A_96, %parallel_loop3A_97], %parallel_loop3A_100 {strides = array<i32>} : memref<128x128xf32, #tpu.memory_space<vmem>>, vector<1x16xf32>,
          %parallel_loop3A_101 = arith.index_cast %parallel_loop3A_88 : i32 to index
          %parallel_loop3A_102 = arith.constant 16 : index
          %parallel_loop3A_103 = tpu.vector_load %arg6[%parallel_loop3A_101, %parallel_loop3A_102] {strides = array<i32>} : memref<128x128xf32, #tpu.memory_space<vmem>>, vector<1x16xf32>,
          %parallel_loop3A_104 = vector.shape_cast %parallel_loop3A_103 : vector<1x16xf32> to vector<16xf32>
          %parallel_loop3A_105 = arith.constant 11.3137083 : f32
          %parallel_loop3A_106 = vector.broadcast %parallel_loop3A_105 : f32 to vector<16xf32>
          %parallel_loop3A_107 = arith.mulf %parallel_loop3A_104, %parallel_loop3A_106 : vector<16xf32>
          %parallel_loop3A_108 = arith.index_cast %parallel_loop3A_88 : i32 to index
          %parallel_loop3A_109 = arith.constant 16 : index
          %parallel_loop3A_110 = tpu.vector_load %arg9[%parallel_loop3A_108, %parallel_loop3A_109] {strides = array<i32>} : memref<128x128xf32, #tpu.memory_space<vmem>>, vector<1x16xf32>,
          %parallel_loop3A_111 = vector.shape_cast %parallel_loop3A_110 : vector<1x16xf32> to vector<16xf32>
          %parallel_loop3A_112 = vector.shape_cast %parallel_loop3A_107 : vector<16xf32> to vector<1x16xf32>
          tpu.vector_store %arg9[%parallel_loop3A_108, %parallel_loop3A_109], %parallel_loop3A_112 {strides = array<i32>} : memref<128x128xf32, #tpu.memory_space<vmem>>, vector<1x16xf32>,
          %parallel_loop3A_113 = arith.index_cast %parallel_loop3A_88 : i32 to index
          %parallel_loop3A_114 = arith.constant 32 : index
          %parallel_loop3A_115 = tpu.vector_load %arg6[%parallel_loop3A_113, %parallel_loop3A_114] {strides = array<i32>} : memref<128x128xf32, #tpu.memory_space<vmem>>, vector<1x16xf32>,
          %parallel_loop3A_116 = vector.shape_cast %parallel_loop3A_115 : vector<1x16xf32> to vector<16xf32>
          %parallel_loop3A_117 = arith.constant 11.3137083 : f32
          %parallel_loop3A_118 = vector.broadcast %parallel_loop3A_117 : f32 to vector<16xf32>
          %parallel_loop3A_119 = arith.mulf %parallel_loop3A_116, %parallel_loop3A_118 : vector<16xf32>
          %parallel_loop3A_120 = arith.index_cast %parallel_loop3A_88 : i32 to index
          %parallel_loop3A_121 = arith.constant 32 : index
          %parallel_loop3A_122 = tpu.vector_load %arg9[%parallel_loop3A_120, %parallel_loop3A_121] {strides = array<i32>} : memref<128x128xf32, #tpu.memory_space<vmem>>, vector<1x16xf32>,
          %parallel_loop3A_123 = vector.shape_cast %parallel_loop3A_122 : vector<1x16xf32> to vector<16xf32>
          %parallel_loop3A_124 = vector.shape_cast %parallel_loop3A_119 : vector<16xf32> to vector<1x16xf32>
          tpu.vector_store %arg9[%parallel_loop3A_120, %parallel_loop3A_121], %parallel_loop3A_124 {strides = array<i32>} : memref<128x128xf32, #tpu.memory_space<vmem>>, vector<1x16xf32>,
          %parallel_loop3A_125 = arith.index_cast %parallel_loop3A_88 : i32 to index
          %parallel_loop3A_126 = arith.constant 48 : index
          %parallel_loop3A_127 = tpu.vector_load %arg6[%parallel_loop3A_125, %parallel_loop3A_126] {strides = array<i32>} : memref<128x128xf32, #tpu.memory_space<vmem>>, vector<1x16xf32>,
          %parallel_loop3A_128 = vector.shape_cast %parallel_loop3A_127 : vector<1x16xf32> to vector<16xf32>
          %parallel_loop3A_129 = arith.constant 11.3137083 : f32
          %parallel_loop3A_130 = vector.broadcast %parallel_loop3A_129 : f32 to vector<16xf32>
          %parallel_loop3A_131 = arith.mulf %parallel_loop3A_128, %parallel_loop3A_130 : vector<16xf32>
          %parallel_loop3A_132 = arith.index_cast %parallel_loop3A_88 : i32 to index
          %parallel_loop3A_133 = arith.constant 48 : index
          %parallel_loop3A_134 = tpu.vector_load %arg9[%parallel_loop3A_132, %parallel_loop3A_133] {strides = array<i32>} : memref<128x128xf32, #tpu.memory_space<vmem>>, vector<1x16xf32>,
          %parallel_loop3A_135 = vector.shape_cast %parallel_loop3A_134 : vector<1x16xf32> to vector<16xf32>
          %parallel_loop3A_136 = vector.shape_cast %parallel_loop3A_131 : vector<16xf32> to vector<1x16xf32>
          tpu.vector_store %arg9[%parallel_loop3A_132, %parallel_loop3A_133], %parallel_loop3A_136 {strides = array<i32>} : memref<128x128xf32, #tpu.memory_space<vmem>>, vector<1x16xf32>,
          %parallel_loop3A_137 = arith.index_cast %parallel_loop3A_88 : i32 to index
          %parallel_loop3A_138 = arith.constant 64 : index
          %parallel_loop3A_139 = tpu.vector_load %arg6[%parallel_loop3A_137, %parallel_loop3A_138] {strides = array<i32>} : memref<128x128xf32, #tpu.memory_space<vmem>>, vector<1x16xf32>,
          %parallel_loop3A_140 = vector.shape_cast %parallel_loop3A_139 : vector<1x16xf32> to vector<16xf32>
          %parallel_loop3A_141 = arith.constant 11.3137083 : f32
          %parallel_loop3A_142 = vector.broadcast %parallel_loop3A_141 : f32 to vector<16xf32>
          %parallel_loop3A_143 = arith.mulf %parallel_loop3A_140, %parallel_loop3A_142 : vector<16xf32>
          %parallel_loop3A_144 = arith.index_cast %parallel_loop3A_88 : i32 to index
          %parallel_loop3A_145 = arith.constant 64 : index
          %parallel_loop3A_146 = tpu.vector_load %arg9[%parallel_loop3A_144, %parallel_loop3A_145] {strides = array<i32>} : memref<128x128xf32, #tpu.memory_space<vmem>>, vector<1x16xf32>,
          %parallel_loop3A_147 = vector.shape_cast %parallel_loop3A_146 : vector<1x16xf32> to vector<16xf32>
          %parallel_loop3A_148 = vector.shape_cast %parallel_loop3A_143 : vector<16xf32> to vector<1x16xf32>
          tpu.vector_store %arg9[%parallel_loop3A_144, %parallel_loop3A_145], %parallel_loop3A_148 {strides = array<i32>} : memref<128x128xf32, #tpu.memory_space<vmem>>, vector<1x16xf32>,
          %parallel_loop3A_149 = arith.index_cast %parallel_loop3A_88 : i32 to index
          %parallel_loop3A_150 = arith.constant 80 : index
          %parallel_loop3A_151 = tpu.vector_load %arg6[%parallel_loop3A_149, %parallel_loop3A_150] {strides = array<i32>} : memref<128x128xf32, #tpu.memory_space<vmem>>, vector<1x16xf32>,
          %parallel_loop3A_152 = vector.shape_cast %parallel_loop3A_151 : vector<1x16xf32> to vector<16xf32>
          %parallel_loop3A_153 = arith.constant 11.3137083 : f32
          %parallel_loop3A_154 = vector.broadcast %parallel_loop3A_153 : f32 to vector<16xf32>
          %parallel_loop3A_155 = arith.mulf %parallel_loop3A_152, %parallel_loop3A_154 : vector<16xf32>
          %parallel_loop3A_156 = arith.index_cast %parallel_loop3A_88 : i32 to index
          %parallel_loop3A_157 = arith.constant 80 : index
          %parallel_loop3A_158 = tpu.vector_load %arg9[%parallel_loop3A_156, %parallel_loop3A_157] {strides = array<i32>} : memref<128x128xf32, #tpu.memory_space<vmem>>, vector<1x16xf32>,
          %parallel_loop3A_159 = vector.shape_cast %parallel_loop3A_158 : vector<1x16xf32> to vector<16xf32>
          %parallel_loop3A_160 = vector.shape_cast %parallel_loop3A_155 : vector<16xf32> to vector<1x16xf32>
          tpu.vector_store %arg9[%parallel_loop3A_156, %parallel_loop3A_157], %parallel_loop3A_160 {strides = array<i32>} : memref<128x128xf32, #tpu.memory_space<vmem>>, vector<1x16xf32>,
          %parallel_loop3A_161 = arith.index_cast %parallel_loop3A_88 : i32 to index
          %parallel_loop3A_162 = arith.constant 96 : index
          %parallel_loop3A_163 = tpu.vector_load %arg6[%parallel_loop3A_161, %parallel_loop3A_162] {strides = array<i32>} : memref<128x128xf32, #tpu.memory_space<vmem>>, vector<1x16xf32>,
          %parallel_loop3A_164 = vector.shape_cast %parallel_loop3A_163 : vector<1x16xf32> to vector<16xf32>
          %parallel_loop3A_165 = arith.constant 11.3137083 : f32
          %parallel_loop3A_166 = vector.broadcast %parallel_loop3A_165 : f32 to vector<16xf32>
          %parallel_loop3A_167 = arith.mulf %parallel_loop3A_164, %parallel_loop3A_166 : vector<16xf32>
          %parallel_loop3A_168 = arith.index_cast %parallel_loop3A_88 : i32 to index
          %parallel_loop3A_169 = arith.constant 96 : index
          %parallel_loop3A_170 = tpu.vector_load %arg9[%parallel_loop3A_168, %parallel_loop3A_169] {strides = array<i32>} : memref<128x128xf32, #tpu.memory_space<vmem>>, vector<1x16xf32>,
          %parallel_loop3A_171 = vector.shape_cast %parallel_loop3A_170 : vector<1x16xf32> to vector<16xf32>
          %parallel_loop3A_172 = vector.shape_cast %parallel_loop3A_167 : vector<16xf32> to vector<1x16xf32>
          tpu.vector_store %arg9[%parallel_loop3A_168, %parallel_loop3A_169], %parallel_loop3A_172 {strides = array<i32>} : memref<128x128xf32, #tpu.memory_space<vmem>>, vector<1x16xf32>,
          %parallel_loop3A_173 = arith.index_cast %parallel_loop3A_88 : i32 to index
          %parallel_loop3A_174 = arith.constant 112 : index
          %parallel_loop3A_175 = tpu.vector_load %arg6[%parallel_loop3A_173, %parallel_loop3A_174] {strides = array<i32>} : memref<128x128xf32, #tpu.memory_space<vmem>>, vector<1x16xf32>,
          %parallel_loop3A_176 = vector.shape_cast %parallel_loop3A_175 : vector<1x16xf32> to vector<16xf32>
          %parallel_loop3A_177 = arith.constant 11.3137083 : f32
          %parallel_loop3A_178 = vector.broadcast %parallel_loop3A_177 : f32 to vector<16xf32>
          %parallel_loop3A_179 = arith.mulf %parallel_loop3A_176, %parallel_loop3A_178 : vector<16xf32>
          %parallel_loop3A_180 = arith.index_cast %parallel_loop3A_88 : i32 to index
          %parallel_loop3A_181 = arith.constant 112 : index
          %parallel_loop3A_182 = tpu.vector_load %arg9[%parallel_loop3A_180, %parallel_loop3A_181] {strides = array<i32>} : memref<128x128xf32, #tpu.memory_space<vmem>>, vector<1x16xf32>,
          %parallel_loop3A_183 = vector.shape_cast %parallel_loop3A_182 : vector<1x16xf32> to vector<16xf32>
          %parallel_loop3A_184 = vector.shape_cast %parallel_loop3A_179 : vector<16xf32> to vector<1x16xf32>
          tpu.vector_store %arg9[%parallel_loop3A_180, %parallel_loop3A_181], %parallel_loop3A_184 {strides = array<i32>} : memref<128x128xf32, #tpu.memory_space<vmem>>, vector<1x16xf32>,
        } {sc.loop_unroll_factor = 2 : i64, sc.parallel_access}
        %add3A_74 = arith.constant 3 : i32
        %add3A_75 = arith.addi %add3A_44, %add3A_74 : i32
        %lt3A_76 = arith.constant 50 : i32
        %lt3A_77 = arith.cmpi slt, %add3A_75, %lt3A_76 : i32
        %convert_element_type3A_78 = arith.extui %lt3A_77 : i1 to i32
        %cond3A_79 = arith.constant 0 : i32
        %cond3A_80 = arith.cmpi ne, %convert_element_type3A_78, %cond3A_79 : i32
        scf.if %cond3A_80 {
          %add3A_88 = arith.constant 3 : i32
          %add3A_89 = arith.addi %add3A_44, %add3A_88 : i32
          %dma_start3A_90 = arith.constant 0 : i32
          %dma_start3A_91 = tpu.memref_slice %arg5[%add3A_89, %dma_start3A_90] : memref<50x128xi32, #tpu.memory_space<vmem>> -> memref<1x128xi32, #tpu.memory_space<vmem>>
          %dma_start3A_92 = tpu.memref_squeeze %dma_start3A_91 : memref<1x128xi32, #tpu.memory_space<vmem>> -> memref<128xi32, #tpu.memory_space<vmem>>
          %dma_start3A_93 = arith.constant 0 : i32
          %dma_start3A_94 = arith.constant 0 : i32
          %dma_start3A_95 = tpu.memref_slice %arg3[%dma_start3A_93, %dma_start3A_94] : memref<100000x128xf32, #tpu.memory_space<hbm>> -> memref<100000x128xf32, #tpu.memory_space<hbm>>
          tpu.enqueue_indirect_dma source(%dma_start3A_95 : memref<100000x128xf32, #tpu.memory_space<hbm>>) target(%arg6 : memref<128x128xf32, #tpu.memory_space<vmem>>) offsets(%dma_start3A_92 : memref<128xi32, #tpu.memory_space<vmem>>) semaphore(%arg12 : memref<!tpu.dma_semaphore, #tpu.memory_space<semaphore_mem>>)
        } else {
        }
        %mul3A_81 = arith.constant 128 : i32
        %mul3A_82 = arith.muli %add3A_44, %mul3A_81 : i32
        %add3A_83 = arith.addi %mul3A_2, %mul3A_82 : i32
        %dma_start3A_84 = arith.constant 0 : i32
        %dma_start3A_85 = tpu.memref_slice %arg4[%add3A_83, %dma_start3A_84] : memref<204800x128xf32, #tpu.memory_space<hbm>> -> memref<128x128xf32, #tpu.memory_space<hbm>>
        %dma_start3A_86 = arith.constant 0 : i32
        %dma_start3A_87 = tpu.memref_slice %arg4[%add3A_83, %dma_start3A_86] : memref<204800x128xf32, #tpu.memory_space<hbm>> -> memref<128x128xf32, #tpu.memory_space<hbm>>
        tpu.enqueue_dma source(%arg9 : memref<128x128xf32, #tpu.memory_space<vmem>>) target(%dma_start3A_87 : memref<128x128xf32, #tpu.memory_space<hbm>>) target_semaphore(%arg15 : memref<!tpu.dma_semaphore, #tpu.memory_space<semaphore_mem>>)
      } else {
      }
      %add3A_47 = arith.constant 1 : i32
      %add3A_48 = arith.addi %add3A_42, %add3A_47 : i32
      %lt3A_49 = arith.constant 50 : i32
      %lt3A_50 = arith.cmpi slt, %add3A_48, %lt3A_49 : i32
      %convert_element_type3A_51 = arith.extui %lt3A_50 : i1 to i32
      %cond3A_52 = arith.constant 0 : i32
      %cond3A_53 = arith.cmpi ne, %convert_element_type3A_51, %cond3A_52 : i32
      scf.if %cond3A_53 {
        %dma_wait3A_61 = arith.constant 1 : i32
        %dma_wait3A_62 = arith.constant 0 : i32
        %dma_wait3A_63 = tpu.memref_slice %arg5[%dma_wait3A_61, %dma_wait3A_62] : memref<50x128xi32, #tpu.memory_space<vmem>> -> memref<1x128xi32, #tpu.memory_space<vmem>>
        %dma_wait3A_64 = tpu.memref_squeeze %dma_wait3A_63 : memref<1x128xi32, #tpu.memory_space<vmem>> -> memref<128xi32, #tpu.memory_space<vmem>>
        %dma_wait3A_65 = arith.constant 0 : i32
        %dma_wait3A_66 = arith.constant 0 : i32
        %dma_wait3A_67 = tpu.memref_slice %arg3[%dma_wait3A_65, %dma_wait3A_66] : memref<100000x128xf32, #tpu.memory_space<hbm>> -> memref<100000x128xf32, #tpu.memory_space<hbm>>
        tpu.wait_indirect_dma semaphore(%arg13 : memref<!tpu.dma_semaphore, #tpu.memory_space<semaphore_mem>>) src(%dma_wait3A_67 : memref<100000x128xf32, #tpu.memory_space<hbm>>) dst(%arg7 : memref<128x128xf32, #tpu.memory_space<vmem>>)
        %ge3A = arith.constant 3 : i32
        %ge3A_68 = arith.cmpi sge, %add3A_48, %ge3A : i32
        %convert_element_type3A_69 = arith.extui %ge3A_68 : i1 to i32
        %cond3A_70 = arith.constant 0 : i32
        %cond3A_71 = arith.cmpi ne, %convert_element_type3A_69, %cond3A_70 : i32
        scf.if %cond3A_71 {
          %dma_wait3A_88 = arith.constant 0 : i32
          %dma_wait3A_89 = tpu.memref_slice %arg4[%mul3A_2, %dma_wait3A_88] : memref<204800x128xf32, #tpu.memory_space<hbm>> -> memref<128x128xf32, #tpu.memory_space<hbm>>
          %dma_wait3A_90 = arith.constant 0 : i32
          %dma_wait3A_91 = tpu.memref_slice %arg4[%mul3A_2, %dma_wait3A_90] : memref<204800x128xf32, #tpu.memory_space<hbm>> -> memref<128x128xf32, #tpu.memory_space<hbm>>
          tpu.wait_dma2 semaphore(%arg16 : memref<!tpu.dma_semaphore, #tpu.memory_space<semaphore_mem>>) src(%arg10 : memref<128x128xf32, #tpu.memory_space<vmem>>) dst(%dma_wait3A_91 : memref<128x128xf32, #tpu.memory_space<hbm>>)
        } else {
        }
        %parallel_loop3A = arith.constant 0 : i32
        %parallel_loop3A_72 = arith.constant 128 : i32
        %parallel_loop3A_73 = arith.constant 1 : i32
        scf.for %parallel_loop3A_88 = %parallel_loop3A to %parallel_loop3A_72 step %parallel_loop3A_73  : i32 {
          %parallel_loop3A_89 = arith.index_cast %parallel_loop3A_88 : i32 to index
          %parallel_loop3A_90 = arith.constant 0 : index
          %parallel_loop3A_91 = tpu.vector_load %arg7[%parallel_loop3A_89, %parallel_loop3A_90] {strides = array<i32>} : memref<128x128xf32, #tpu.memory_space<vmem>>, vector<1x16xf32>,
          %parallel_loop3A_92 = vector.shape_cast %parallel_loop3A_91 : vector<1x16xf32> to vector<16xf32>
          %parallel_loop3A_93 = arith.constant 11.3137083 : f32
          %parallel_loop3A_94 = vector.broadcast %parallel_loop3A_93 : f32 to vector<16xf32>
          %parallel_loop3A_95 = arith.mulf %parallel_loop3A_92, %parallel_loop3A_94 : vector<16xf32>
          %parallel_loop3A_96 = arith.index_cast %parallel_loop3A_88 : i32 to index
          %parallel_loop3A_97 = arith.constant 0 : index
          %parallel_loop3A_98 = tpu.vector_load %arg10[%parallel_loop3A_96, %parallel_loop3A_97] {strides = array<i32>} : memref<128x128xf32, #tpu.memory_space<vmem>>, vector<1x16xf32>,
          %parallel_loop3A_99 = vector.shape_cast %parallel_loop3A_98 : vector<1x16xf32> to vector<16xf32>
          %parallel_loop3A_100 = vector.shape_cast %parallel_loop3A_95 : vector<16xf32> to vector<1x16xf32>
          tpu.vector_store %arg10[%parallel_loop3A_96, %parallel_loop3A_97], %parallel_loop3A_100 {strides = array<i32>} : memref<128x128xf32, #tpu.memory_space<vmem>>, vector<1x16xf32>,
          %parallel_loop3A_101 = arith.index_cast %parallel_loop3A_88 : i32 to index
          %parallel_loop3A_102 = arith.constant 16 : index
          %parallel_loop3A_103 = tpu.vector_load %arg7[%parallel_loop3A_101, %parallel_loop3A_102] {strides = array<i32>} : memref<128x128xf32, #tpu.memory_space<vmem>>, vector<1x16xf32>,
          %parallel_loop3A_104 = vector.shape_cast %parallel_loop3A_103 : vector<1x16xf32> to vector<16xf32>
          %parallel_loop3A_105 = arith.constant 11.3137083 : f32
          %parallel_loop3A_106 = vector.broadcast %parallel_loop3A_105 : f32 to vector<16xf32>
          %parallel_loop3A_107 = arith.mulf %parallel_loop3A_104, %parallel_loop3A_106 : vector<16xf32>
          %parallel_loop3A_108 = arith.index_cast %parallel_loop3A_88 : i32 to index
          %parallel_loop3A_109 = arith.constant 16 : index
          %parallel_loop3A_110 = tpu.vector_load %arg10[%parallel_loop3A_108, %parallel_loop3A_109] {strides = array<i32>} : memref<128x128xf32, #tpu.memory_space<vmem>>, vector<1x16xf32>,
          %parallel_loop3A_111 = vector.shape_cast %parallel_loop3A_110 : vector<1x16xf32> to vector<16xf32>
          %parallel_loop3A_112 = vector.shape_cast %parallel_loop3A_107 : vector<16xf32> to vector<1x16xf32>
          tpu.vector_store %arg10[%parallel_loop3A_108, %parallel_loop3A_109], %parallel_loop3A_112 {strides = array<i32>} : memref<128x128xf32, #tpu.memory_space<vmem>>, vector<1x16xf32>,
          %parallel_loop3A_113 = arith.index_cast %parallel_loop3A_88 : i32 to index
          %parallel_loop3A_114 = arith.constant 32 : index
          %parallel_loop3A_115 = tpu.vector_load %arg7[%parallel_loop3A_113, %parallel_loop3A_114] {strides = array<i32>} : memref<128x128xf32, #tpu.memory_space<vmem>>, vector<1x16xf32>,
          %parallel_loop3A_116 = vector.shape_cast %parallel_loop3A_115 : vector<1x16xf32> to vector<16xf32>
          %parallel_loop3A_117 = arith.constant 11.3137083 : f32
          %parallel_loop3A_118 = vector.broadcast %parallel_loop3A_117 : f32 to vector<16xf32>
          %parallel_loop3A_119 = arith.mulf %parallel_loop3A_116, %parallel_loop3A_118 : vector<16xf32>
          %parallel_loop3A_120 = arith.index_cast %parallel_loop3A_88 : i32 to index
          %parallel_loop3A_121 = arith.constant 32 : index
          %parallel_loop3A_122 = tpu.vector_load %arg10[%parallel_loop3A_120, %parallel_loop3A_121] {strides = array<i32>} : memref<128x128xf32, #tpu.memory_space<vmem>>, vector<1x16xf32>,
          %parallel_loop3A_123 = vector.shape_cast %parallel_loop3A_122 : vector<1x16xf32> to vector<16xf32>
          %parallel_loop3A_124 = vector.shape_cast %parallel_loop3A_119 : vector<16xf32> to vector<1x16xf32>
          tpu.vector_store %arg10[%parallel_loop3A_120, %parallel_loop3A_121], %parallel_loop3A_124 {strides = array<i32>} : memref<128x128xf32, #tpu.memory_space<vmem>>, vector<1x16xf32>,
          %parallel_loop3A_125 = arith.index_cast %parallel_loop3A_88 : i32 to index
          %parallel_loop3A_126 = arith.constant 48 : index
          %parallel_loop3A_127 = tpu.vector_load %arg7[%parallel_loop3A_125, %parallel_loop3A_126] {strides = array<i32>} : memref<128x128xf32, #tpu.memory_space<vmem>>, vector<1x16xf32>,
          %parallel_loop3A_128 = vector.shape_cast %parallel_loop3A_127 : vector<1x16xf32> to vector<16xf32>
          %parallel_loop3A_129 = arith.constant 11.3137083 : f32
          %parallel_loop3A_130 = vector.broadcast %parallel_loop3A_129 : f32 to vector<16xf32>
          %parallel_loop3A_131 = arith.mulf %parallel_loop3A_128, %parallel_loop3A_130 : vector<16xf32>
          %parallel_loop3A_132 = arith.index_cast %parallel_loop3A_88 : i32 to index
          %parallel_loop3A_133 = arith.constant 48 : index
          %parallel_loop3A_134 = tpu.vector_load %arg10[%parallel_loop3A_132, %parallel_loop3A_133] {strides = array<i32>} : memref<128x128xf32, #tpu.memory_space<vmem>>, vector<1x16xf32>,
          %parallel_loop3A_135 = vector.shape_cast %parallel_loop3A_134 : vector<1x16xf32> to vector<16xf32>
          %parallel_loop3A_136 = vector.shape_cast %parallel_loop3A_131 : vector<16xf32> to vector<1x16xf32>
          tpu.vector_store %arg10[%parallel_loop3A_132, %parallel_loop3A_133], %parallel_loop3A_136 {strides = array<i32>} : memref<128x128xf32, #tpu.memory_space<vmem>>, vector<1x16xf32>,
          %parallel_loop3A_137 = arith.index_cast %parallel_loop3A_88 : i32 to index
          %parallel_loop3A_138 = arith.constant 64 : index
          %parallel_loop3A_139 = tpu.vector_load %arg7[%parallel_loop3A_137, %parallel_loop3A_138] {strides = array<i32>} : memref<128x128xf32, #tpu.memory_space<vmem>>, vector<1x16xf32>,
          %parallel_loop3A_140 = vector.shape_cast %parallel_loop3A_139 : vector<1x16xf32> to vector<16xf32>
          %parallel_loop3A_141 = arith.constant 11.3137083 : f32
          %parallel_loop3A_142 = vector.broadcast %parallel_loop3A_141 : f32 to vector<16xf32>
          %parallel_loop3A_143 = arith.mulf %parallel_loop3A_140, %parallel_loop3A_142 : vector<16xf32>
          %parallel_loop3A_144 = arith.index_cast %parallel_loop3A_88 : i32 to index
          %parallel_loop3A_145 = arith.constant 64 : index
          %parallel_loop3A_146 = tpu.vector_load %arg10[%parallel_loop3A_144, %parallel_loop3A_145] {strides = array<i32>} : memref<128x128xf32, #tpu.memory_space<vmem>>, vector<1x16xf32>,
          %parallel_loop3A_147 = vector.shape_cast %parallel_loop3A_146 : vector<1x16xf32> to vector<16xf32>
          %parallel_loop3A_148 = vector.shape_cast %parallel_loop3A_143 : vector<16xf32> to vector<1x16xf32>
          tpu.vector_store %arg10[%parallel_loop3A_144, %parallel_loop3A_145], %parallel_loop3A_148 {strides = array<i32>} : memref<128x128xf32, #tpu.memory_space<vmem>>, vector<1x16xf32>,
          %parallel_loop3A_149 = arith.index_cast %parallel_loop3A_88 : i32 to index
          %parallel_loop3A_150 = arith.constant 80 : index
          %parallel_loop3A_151 = tpu.vector_load %arg7[%parallel_loop3A_149, %parallel_loop3A_150] {strides = array<i32>} : memref<128x128xf32, #tpu.memory_space<vmem>>, vector<1x16xf32>,
          %parallel_loop3A_152 = vector.shape_cast %parallel_loop3A_151 : vector<1x16xf32> to vector<16xf32>
          %parallel_loop3A_153 = arith.constant 11.3137083 : f32
          %parallel_loop3A_154 = vector.broadcast %parallel_loop3A_153 : f32 to vector<16xf32>
          %parallel_loop3A_155 = arith.mulf %parallel_loop3A_152, %parallel_loop3A_154 : vector<16xf32>
          %parallel_loop3A_156 = arith.index_cast %parallel_loop3A_88 : i32 to index
          %parallel_loop3A_157 = arith.constant 80 : index
          %parallel_loop3A_158 = tpu.vector_load %arg10[%parallel_loop3A_156, %parallel_loop3A_157] {strides = array<i32>} : memref<128x128xf32, #tpu.memory_space<vmem>>, vector<1x16xf32>,
          %parallel_loop3A_159 = vector.shape_cast %parallel_loop3A_158 : vector<1x16xf32> to vector<16xf32>
          %parallel_loop3A_160 = vector.shape_cast %parallel_loop3A_155 : vector<16xf32> to vector<1x16xf32>
          tpu.vector_store %arg10[%parallel_loop3A_156, %parallel_loop3A_157], %parallel_loop3A_160 {strides = array<i32>} : memref<128x128xf32, #tpu.memory_space<vmem>>, vector<1x16xf32>,
          %parallel_loop3A_161 = arith.index_cast %parallel_loop3A_88 : i32 to index
          %parallel_loop3A_162 = arith.constant 96 : index
          %parallel_loop3A_163 = tpu.vector_load %arg7[%parallel_loop3A_161, %parallel_loop3A_162] {strides = array<i32>} : memref<128x128xf32, #tpu.memory_space<vmem>>, vector<1x16xf32>,
          %parallel_loop3A_164 = vector.shape_cast %parallel_loop3A_163 : vector<1x16xf32> to vector<16xf32>
          %parallel_loop3A_165 = arith.constant 11.3137083 : f32
          %parallel_loop3A_166 = vector.broadcast %parallel_loop3A_165 : f32 to vector<16xf32>
          %parallel_loop3A_167 = arith.mulf %parallel_loop3A_164, %parallel_loop3A_166 : vector<16xf32>
          %parallel_loop3A_168 = arith.index_cast %parallel_loop3A_88 : i32 to index
          %parallel_loop3A_169 = arith.constant 96 : index
          %parallel_loop3A_170 = tpu.vector_load %arg10[%parallel_loop3A_168, %parallel_loop3A_169] {strides = array<i32>} : memref<128x128xf32, #tpu.memory_space<vmem>>, vector<1x16xf32>,
          %parallel_loop3A_171 = vector.shape_cast %parallel_loop3A_170 : vector<1x16xf32> to vector<16xf32>
          %parallel_loop3A_172 = vector.shape_cast %parallel_loop3A_167 : vector<16xf32> to vector<1x16xf32>
          tpu.vector_store %arg10[%parallel_loop3A_168, %parallel_loop3A_169], %parallel_loop3A_172 {strides = array<i32>} : memref<128x128xf32, #tpu.memory_space<vmem>>, vector<1x16xf32>,
          %parallel_loop3A_173 = arith.index_cast %parallel_loop3A_88 : i32 to index
          %parallel_loop3A_174 = arith.constant 112 : index
          %parallel_loop3A_175 = tpu.vector_load %arg7[%parallel_loop3A_173, %parallel_loop3A_174] {strides = array<i32>} : memref<128x128xf32, #tpu.memory_space<vmem>>, vector<1x16xf32>,
          %parallel_loop3A_176 = vector.shape_cast %parallel_loop3A_175 : vector<1x16xf32> to vector<16xf32>
          %parallel_loop3A_177 = arith.constant 11.3137083 : f32
          %parallel_loop3A_178 = vector.broadcast %parallel_loop3A_177 : f32 to vector<16xf32>
          %parallel_loop3A_179 = arith.mulf %parallel_loop3A_176, %parallel_loop3A_178 : vector<16xf32>
          %parallel_loop3A_180 = arith.index_cast %parallel_loop3A_88 : i32 to index
          %parallel_loop3A_181 = arith.constant 112 : index
          %parallel_loop3A_182 = tpu.vector_load %arg10[%parallel_loop3A_180, %parallel_loop3A_181] {strides = array<i32>} : memref<128x128xf32, #tpu.memory_space<vmem>>, vector<1x16xf32>,
          %parallel_loop3A_183 = vector.shape_cast %parallel_loop3A_182 : vector<1x16xf32> to vector<16xf32>
          %parallel_loop3A_184 = vector.shape_cast %parallel_loop3A_179 : vector<16xf32> to vector<1x16xf32>
          tpu.vector_store %arg10[%parallel_loop3A_180, %parallel_loop3A_181], %parallel_loop3A_184 {strides = array<i32>} : memref<128x128xf32, #tpu.memory_space<vmem>>, vector<1x16xf32>,
        } {sc.loop_unroll_factor = 2 : i64, sc.parallel_access}
        %add3A_74 = arith.constant 3 : i32
        %add3A_75 = arith.addi %add3A_48, %add3A_74 : i32
        %lt3A_76 = arith.constant 50 : i32
        %lt3A_77 = arith.cmpi slt, %add3A_75, %lt3A_76 : i32
        %convert_element_type3A_78 = arith.extui %lt3A_77 : i1 to i32
        %cond3A_79 = arith.constant 0 : i32
        %cond3A_80 = arith.cmpi ne, %convert_element_type3A_78, %cond3A_79 : i32
        scf.if %cond3A_80 {
          %add3A_88 = arith.constant 3 : i32
          %add3A_89 = arith.addi %add3A_48, %add3A_88 : i32
          %dma_start3A_90 = arith.constant 0 : i32
          %dma_start3A_91 = tpu.memref_slice %arg5[%add3A_89, %dma_start3A_90] : memref<50x128xi32, #tpu.memory_space<vmem>> -> memref<1x128xi32, #tpu.memory_space<vmem>>
          %dma_start3A_92 = tpu.memref_squeeze %dma_start3A_91 : memref<1x128xi32, #tpu.memory_space<vmem>> -> memref<128xi32, #tpu.memory_space<vmem>>
          %dma_start3A_93 = arith.constant 0 : i32
          %dma_start3A_94 = arith.constant 0 : i32
          %dma_start3A_95 = tpu.memref_slice %arg3[%dma_start3A_93, %dma_start3A_94] : memref<100000x128xf32, #tpu.memory_space<hbm>> -> memref<100000x128xf32, #tpu.memory_space<hbm>>
          tpu.enqueue_indirect_dma source(%dma_start3A_95 : memref<100000x128xf32, #tpu.memory_space<hbm>>) target(%arg7 : memref<128x128xf32, #tpu.memory_space<vmem>>) offsets(%dma_start3A_92 : memref<128xi32, #tpu.memory_space<vmem>>) semaphore(%arg13 : memref<!tpu.dma_semaphore, #tpu.memory_space<semaphore_mem>>)
        } else {
        }
        %mul3A_81 = arith.constant 128 : i32
        %mul3A_82 = arith.muli %add3A_48, %mul3A_81 : i32
        %add3A_83 = arith.addi %mul3A_2, %mul3A_82 : i32
        %dma_start3A_84 = arith.constant 0 : i32
        %dma_start3A_85 = tpu.memref_slice %arg4[%add3A_83, %dma_start3A_84] : memref<204800x128xf32, #tpu.memory_space<hbm>> -> memref<128x128xf32, #tpu.memory_space<hbm>>
        %dma_start3A_86 = arith.constant 0 : i32
        %dma_start3A_87 = tpu.memref_slice %arg4[%add3A_83, %dma_start3A_86] : memref<204800x128xf32, #tpu.memory_space<hbm>> -> memref<128x128xf32, #tpu.memory_space<hbm>>
        tpu.enqueue_dma source(%arg10 : memref<128x128xf32, #tpu.memory_space<vmem>>) target(%dma_start3A_87 : memref<128x128xf32, #tpu.memory_space<hbm>>) target_semaphore(%arg16 : memref<!tpu.dma_semaphore, #tpu.memory_space<semaphore_mem>>)
      } else {
      }
      %add3A_54 = arith.constant 2 : i32
      %add3A_55 = arith.addi %add3A_42, %add3A_54 : i32
      %lt3A_56 = arith.constant 50 : i32
      %lt3A_57 = arith.cmpi slt, %add3A_55, %lt3A_56 : i32
      %convert_element_type3A_58 = arith.extui %lt3A_57 : i1 to i32
      %cond3A_59 = arith.constant 0 : i32
      %cond3A_60 = arith.cmpi ne, %convert_element_type3A_58, %cond3A_59 : i32
      scf.if %cond3A_60 {
        %dma_wait3A_61 = arith.constant 2 : i32
        %dma_wait3A_62 = arith.constant 0 : i32
        %dma_wait3A_63 = tpu.memref_slice %arg5[%dma_wait3A_61, %dma_wait3A_62] : memref<50x128xi32, #tpu.memory_space<vmem>> -> memref<1x128xi32, #tpu.memory_space<vmem>>
        %dma_wait3A_64 = tpu.memref_squeeze %dma_wait3A_63 : memref<1x128xi32, #tpu.memory_space<vmem>> -> memref<128xi32, #tpu.memory_space<vmem>>
        %dma_wait3A_65 = arith.constant 0 : i32
        %dma_wait3A_66 = arith.constant 0 : i32
        %dma_wait3A_67 = tpu.memref_slice %arg3[%dma_wait3A_65, %dma_wait3A_66] : memref<100000x128xf32, #tpu.memory_space<hbm>> -> memref<100000x128xf32, #tpu.memory_space<hbm>>
        tpu.wait_indirect_dma semaphore(%arg14 : memref<!tpu.dma_semaphore, #tpu.memory_space<semaphore_mem>>) src(%dma_wait3A_67 : memref<100000x128xf32, #tpu.memory_space<hbm>>) dst(%arg8 : memref<128x128xf32, #tpu.memory_space<vmem>>)
        %ge3A = arith.constant 3 : i32
        %ge3A_68 = arith.cmpi sge, %add3A_55, %ge3A : i32
        %convert_element_type3A_69 = arith.extui %ge3A_68 : i1 to i32
        %cond3A_70 = arith.constant 0 : i32
        %cond3A_71 = arith.cmpi ne, %convert_element_type3A_69, %cond3A_70 : i32
        scf.if %cond3A_71 {
          %dma_wait3A_88 = arith.constant 0 : i32
          %dma_wait3A_89 = tpu.memref_slice %arg4[%mul3A_2, %dma_wait3A_88] : memref<204800x128xf32, #tpu.memory_space<hbm>> -> memref<128x128xf32, #tpu.memory_space<hbm>>
          %dma_wait3A_90 = arith.constant 0 : i32
          %dma_wait3A_91 = tpu.memref_slice %arg4[%mul3A_2, %dma_wait3A_90] : memref<204800x128xf32, #tpu.memory_space<hbm>> -> memref<128x128xf32, #tpu.memory_space<hbm>>
          tpu.wait_dma2 semaphore(%arg17 : memref<!tpu.dma_semaphore, #tpu.memory_space<semaphore_mem>>) src(%arg11 : memref<128x128xf32, #tpu.memory_space<vmem>>) dst(%dma_wait3A_91 : memref<128x128xf32, #tpu.memory_space<hbm>>)
        } else {
        }
        %parallel_loop3A = arith.constant 0 : i32
        %parallel_loop3A_72 = arith.constant 128 : i32
        %parallel_loop3A_73 = arith.constant 1 : i32
        scf.for %parallel_loop3A_88 = %parallel_loop3A to %parallel_loop3A_72 step %parallel_loop3A_73  : i32 {
          %parallel_loop3A_89 = arith.index_cast %parallel_loop3A_88 : i32 to index
          %parallel_loop3A_90 = arith.constant 0 : index
          %parallel_loop3A_91 = tpu.vector_load %arg8[%parallel_loop3A_89, %parallel_loop3A_90] {strides = array<i32>} : memref<128x128xf32, #tpu.memory_space<vmem>>, vector<1x16xf32>,
          %parallel_loop3A_92 = vector.shape_cast %parallel_loop3A_91 : vector<1x16xf32> to vector<16xf32>
          %parallel_loop3A_93 = arith.constant 11.3137083 : f32
          %parallel_loop3A_94 = vector.broadcast %parallel_loop3A_93 : f32 to vector<16xf32>
          %parallel_loop3A_95 = arith.mulf %parallel_loop3A_92, %parallel_loop3A_94 : vector<16xf32>
          %parallel_loop3A_96 = arith.index_cast %parallel_loop3A_88 : i32 to index
          %parallel_loop3A_97 = arith.constant 0 : index
          %parallel_loop3A_98 = tpu.vector_load %arg11[%parallel_loop3A_96, %parallel_loop3A_97] {strides = array<i32>} : memref<128x128xf32, #tpu.memory_space<vmem>>, vector<1x16xf32>,
          %parallel_loop3A_99 = vector.shape_cast %parallel_loop3A_98 : vector<1x16xf32> to vector<16xf32>
          %parallel_loop3A_100 = vector.shape_cast %parallel_loop3A_95 : vector<16xf32> to vector<1x16xf32>
          tpu.vector_store %arg11[%parallel_loop3A_96, %parallel_loop3A_97], %parallel_loop3A_100 {strides = array<i32>} : memref<128x128xf32, #tpu.memory_space<vmem>>, vector<1x16xf32>,
          %parallel_loop3A_101 = arith.index_cast %parallel_loop3A_88 : i32 to index
          %parallel_loop3A_102 = arith.constant 16 : index
          %parallel_loop3A_103 = tpu.vector_load %arg8[%parallel_loop3A_101, %parallel_loop3A_102] {strides = array<i32>} : memref<128x128xf32, #tpu.memory_space<vmem>>, vector<1x16xf32>,
          %parallel_loop3A_104 = vector.shape_cast %parallel_loop3A_103 : vector<1x16xf32> to vector<16xf32>
          %parallel_loop3A_105 = arith.constant 11.3137083 : f32
          %parallel_loop3A_106 = vector.broadcast %parallel_loop3A_105 : f32 to vector<16xf32>
          %parallel_loop3A_107 = arith.mulf %parallel_loop3A_104, %parallel_loop3A_106 : vector<16xf32>
          %parallel_loop3A_108 = arith.index_cast %parallel_loop3A_88 : i32 to index
          %parallel_loop3A_109 = arith.constant 16 : index
          %parallel_loop3A_110 = tpu.vector_load %arg11[%parallel_loop3A_108, %parallel_loop3A_109] {strides = array<i32>} : memref<128x128xf32, #tpu.memory_space<vmem>>, vector<1x16xf32>,
          %parallel_loop3A_111 = vector.shape_cast %parallel_loop3A_110 : vector<1x16xf32> to vector<16xf32>
          %parallel_loop3A_112 = vector.shape_cast %parallel_loop3A_107 : vector<16xf32> to vector<1x16xf32>
          tpu.vector_store %arg11[%parallel_loop3A_108, %parallel_loop3A_109], %parallel_loop3A_112 {strides = array<i32>} : memref<128x128xf32, #tpu.memory_space<vmem>>, vector<1x16xf32>,
          %parallel_loop3A_113 = arith.index_cast %parallel_loop3A_88 : i32 to index
          %parallel_loop3A_114 = arith.constant 32 : index
          %parallel_loop3A_115 = tpu.vector_load %arg8[%parallel_loop3A_113, %parallel_loop3A_114] {strides = array<i32>} : memref<128x128xf32, #tpu.memory_space<vmem>>, vector<1x16xf32>,
          %parallel_loop3A_116 = vector.shape_cast %parallel_loop3A_115 : vector<1x16xf32> to vector<16xf32>
          %parallel_loop3A_117 = arith.constant 11.3137083 : f32
          %parallel_loop3A_118 = vector.broadcast %parallel_loop3A_117 : f32 to vector<16xf32>
          %parallel_loop3A_119 = arith.mulf %parallel_loop3A_116, %parallel_loop3A_118 : vector<16xf32>
          %parallel_loop3A_120 = arith.index_cast %parallel_loop3A_88 : i32 to index
          %parallel_loop3A_121 = arith.constant 32 : index
          %parallel_loop3A_122 = tpu.vector_load %arg11[%parallel_loop3A_120, %parallel_loop3A_121] {strides = array<i32>} : memref<128x128xf32, #tpu.memory_space<vmem>>, vector<1x16xf32>,
          %parallel_loop3A_123 = vector.shape_cast %parallel_loop3A_122 : vector<1x16xf32> to vector<16xf32>
          %parallel_loop3A_124 = vector.shape_cast %parallel_loop3A_119 : vector<16xf32> to vector<1x16xf32>
          tpu.vector_store %arg11[%parallel_loop3A_120, %parallel_loop3A_121], %parallel_loop3A_124 {strides = array<i32>} : memref<128x128xf32, #tpu.memory_space<vmem>>, vector<1x16xf32>,
          %parallel_loop3A_125 = arith.index_cast %parallel_loop3A_88 : i32 to index
          %parallel_loop3A_126 = arith.constant 48 : index
          %parallel_loop3A_127 = tpu.vector_load %arg8[%parallel_loop3A_125, %parallel_loop3A_126] {strides = array<i32>} : memref<128x128xf32, #tpu.memory_space<vmem>>, vector<1x16xf32>,
          %parallel_loop3A_128 = vector.shape_cast %parallel_loop3A_127 : vector<1x16xf32> to vector<16xf32>
          %parallel_loop3A_129 = arith.constant 11.3137083 : f32
          %parallel_loop3A_130 = vector.broadcast %parallel_loop3A_129 : f32 to vector<16xf32>
          %parallel_loop3A_131 = arith.mulf %parallel_loop3A_128, %parallel_loop3A_130 : vector<16xf32>
          %parallel_loop3A_132 = arith.index_cast %parallel_loop3A_88 : i32 to index
          %parallel_loop3A_133 = arith.constant 48 : index
          %parallel_loop3A_134 = tpu.vector_load %arg11[%parallel_loop3A_132, %parallel_loop3A_133] {strides = array<i32>} : memref<128x128xf32, #tpu.memory_space<vmem>>, vector<1x16xf32>,
          %parallel_loop3A_135 = vector.shape_cast %parallel_loop3A_134 : vector<1x16xf32> to vector<16xf32>
          %parallel_loop3A_136 = vector.shape_cast %parallel_loop3A_131 : vector<16xf32> to vector<1x16xf32>
          tpu.vector_store %arg11[%parallel_loop3A_132, %parallel_loop3A_133], %parallel_loop3A_136 {strides = array<i32>} : memref<128x128xf32, #tpu.memory_space<vmem>>, vector<1x16xf32>,
          %parallel_loop3A_137 = arith.index_cast %parallel_loop3A_88 : i32 to index
          %parallel_loop3A_138 = arith.constant 64 : index
          %parallel_loop3A_139 = tpu.vector_load %arg8[%parallel_loop3A_137, %parallel_loop3A_138] {strides = array<i32>} : memref<128x128xf32, #tpu.memory_space<vmem>>, vector<1x16xf32>,
          %parallel_loop3A_140 = vector.shape_cast %parallel_loop3A_139 : vector<1x16xf32> to vector<16xf32>
          %parallel_loop3A_141 = arith.constant 11.3137083 : f32
          %parallel_loop3A_142 = vector.broadcast %parallel_loop3A_141 : f32 to vector<16xf32>
          %parallel_loop3A_143 = arith.mulf %parallel_loop3A_140, %parallel_loop3A_142 : vector<16xf32>
          %parallel_loop3A_144 = arith.index_cast %parallel_loop3A_88 : i32 to index
          %parallel_loop3A_145 = arith.constant 64 : index
          %parallel_loop3A_146 = tpu.vector_load %arg11[%parallel_loop3A_144, %parallel_loop3A_145] {strides = array<i32>} : memref<128x128xf32, #tpu.memory_space<vmem>>, vector<1x16xf32>,
          %parallel_loop3A_147 = vector.shape_cast %parallel_loop3A_146 : vector<1x16xf32> to vector<16xf32>
          %parallel_loop3A_148 = vector.shape_cast %parallel_loop3A_143 : vector<16xf32> to vector<1x16xf32>
          tpu.vector_store %arg11[%parallel_loop3A_144, %parallel_loop3A_145], %parallel_loop3A_148 {strides = array<i32>} : memref<128x128xf32, #tpu.memory_space<vmem>>, vector<1x16xf32>,
          %parallel_loop3A_149 = arith.index_cast %parallel_loop3A_88 : i32 to index
          %parallel_loop3A_150 = arith.constant 80 : index
          %parallel_loop3A_151 = tpu.vector_load %arg8[%parallel_loop3A_149, %parallel_loop3A_150] {strides = array<i32>} : memref<128x128xf32, #tpu.memory_space<vmem>>, vector<1x16xf32>,
          %parallel_loop3A_152 = vector.shape_cast %parallel_loop3A_151 : vector<1x16xf32> to vector<16xf32>
          %parallel_loop3A_153 = arith.constant 11.3137083 : f32
          %parallel_loop3A_154 = vector.broadcast %parallel_loop3A_153 : f32 to vector<16xf32>
          %parallel_loop3A_155 = arith.mulf %parallel_loop3A_152, %parallel_loop3A_154 : vector<16xf32>
          %parallel_loop3A_156 = arith.index_cast %parallel_loop3A_88 : i32 to index
          %parallel_loop3A_157 = arith.constant 80 : index
          %parallel_loop3A_158 = tpu.vector_load %arg11[%parallel_loop3A_156, %parallel_loop3A_157] {strides = array<i32>} : memref<128x128xf32, #tpu.memory_space<vmem>>, vector<1x16xf32>,
          %parallel_loop3A_159 = vector.shape_cast %parallel_loop3A_158 : vector<1x16xf32> to vector<16xf32>
          %parallel_loop3A_160 = vector.shape_cast %parallel_loop3A_155 : vector<16xf32> to vector<1x16xf32>
          tpu.vector_store %arg11[%parallel_loop3A_156, %parallel_loop3A_157], %parallel_loop3A_160 {strides = array<i32>} : memref<128x128xf32, #tpu.memory_space<vmem>>, vector<1x16xf32>,
          %parallel_loop3A_161 = arith.index_cast %parallel_loop3A_88 : i32 to index
          %parallel_loop3A_162 = arith.constant 96 : index
          %parallel_loop3A_163 = tpu.vector_load %arg8[%parallel_loop3A_161, %parallel_loop3A_162] {strides = array<i32>} : memref<128x128xf32, #tpu.memory_space<vmem>>, vector<1x16xf32>,
          %parallel_loop3A_164 = vector.shape_cast %parallel_loop3A_163 : vector<1x16xf32> to vector<16xf32>
          %parallel_loop3A_165 = arith.constant 11.3137083 : f32
          %parallel_loop3A_166 = vector.broadcast %parallel_loop3A_165 : f32 to vector<16xf32>
          %parallel_loop3A_167 = arith.mulf %parallel_loop3A_164, %parallel_loop3A_166 : vector<16xf32>
          %parallel_loop3A_168 = arith.index_cast %parallel_loop3A_88 : i32 to index
          %parallel_loop3A_169 = arith.constant 96 : index
          %parallel_loop3A_170 = tpu.vector_load %arg11[%parallel_loop3A_168, %parallel_loop3A_169] {strides = array<i32>} : memref<128x128xf32, #tpu.memory_space<vmem>>, vector<1x16xf32>,
          %parallel_loop3A_171 = vector.shape_cast %parallel_loop3A_170 : vector<1x16xf32> to vector<16xf32>
          %parallel_loop3A_172 = vector.shape_cast %parallel_loop3A_167 : vector<16xf32> to vector<1x16xf32>
          tpu.vector_store %arg11[%parallel_loop3A_168, %parallel_loop3A_169], %parallel_loop3A_172 {strides = array<i32>} : memref<128x128xf32, #tpu.memory_space<vmem>>, vector<1x16xf32>,
          %parallel_loop3A_173 = arith.index_cast %parallel_loop3A_88 : i32 to index
          %parallel_loop3A_174 = arith.constant 112 : index
          %parallel_loop3A_175 = tpu.vector_load %arg8[%parallel_loop3A_173, %parallel_loop3A_174] {strides = array<i32>} : memref<128x128xf32, #tpu.memory_space<vmem>>, vector<1x16xf32>,
          %parallel_loop3A_176 = vector.shape_cast %parallel_loop3A_175 : vector<1x16xf32> to vector<16xf32>
          %parallel_loop3A_177 = arith.constant 11.3137083 : f32
          %parallel_loop3A_178 = vector.broadcast %parallel_loop3A_177 : f32 to vector<16xf32>
          %parallel_loop3A_179 = arith.mulf %parallel_loop3A_176, %parallel_loop3A_178 : vector<16xf32>
          %parallel_loop3A_180 = arith.index_cast %parallel_loop3A_88 : i32 to index
          %parallel_loop3A_181 = arith.constant 112 : index
          %parallel_loop3A_182 = tpu.vector_load %arg11[%parallel_loop3A_180, %parallel_loop3A_181] {strides = array<i32>} : memref<128x128xf32, #tpu.memory_space<vmem>>, vector<1x16xf32>,
          %parallel_loop3A_183 = vector.shape_cast %parallel_loop3A_182 : vector<1x16xf32> to vector<16xf32>
          %parallel_loop3A_184 = vector.shape_cast %parallel_loop3A_179 : vector<16xf32> to vector<1x16xf32>
          tpu.vector_store %arg11[%parallel_loop3A_180, %parallel_loop3A_181], %parallel_loop3A_184 {strides = array<i32>} : memref<128x128xf32, #tpu.memory_space<vmem>>, vector<1x16xf32>,
        } {sc.loop_unroll_factor = 2 : i64, sc.parallel_access}
        %add3A_74 = arith.constant 3 : i32
        %add3A_75 = arith.addi %add3A_55, %add3A_74 : i32
        %lt3A_76 = arith.constant 50 : i32
        %lt3A_77 = arith.cmpi slt, %add3A_75, %lt3A_76 : i32
        %convert_element_type3A_78 = arith.extui %lt3A_77 : i1 to i32
        %cond3A_79 = arith.constant 0 : i32
        %cond3A_80 = arith.cmpi ne, %convert_element_type3A_78, %cond3A_79 : i32
        scf.if %cond3A_80 {
          %add3A_88 = arith.constant 3 : i32
          %add3A_89 = arith.addi %add3A_55, %add3A_88 : i32
          %dma_start3A_90 = arith.constant 0 : i32
          %dma_start3A_91 = tpu.memref_slice %arg5[%add3A_89, %dma_start3A_90] : memref<50x128xi32, #tpu.memory_space<vmem>> -> memref<1x128xi32, #tpu.memory_space<vmem>>
          %dma_start3A_92 = tpu.memref_squeeze %dma_start3A_91 : memref<1x128xi32, #tpu.memory_space<vmem>> -> memref<128xi32, #tpu.memory_space<vmem>>
          %dma_start3A_93 = arith.constant 0 : i32
          %dma_start3A_94 = arith.constant 0 : i32
          %dma_start3A_95 = tpu.memref_slice %arg3[%dma_start3A_93, %dma_start3A_94] : memref<100000x128xf32, #tpu.memory_space<hbm>> -> memref<100000x128xf32, #tpu.memory_space<hbm>>
          tpu.enqueue_indirect_dma source(%dma_start3A_95 : memref<100000x128xf32, #tpu.memory_space<hbm>>) target(%arg8 : memref<128x128xf32, #tpu.memory_space<vmem>>) offsets(%dma_start3A_92 : memref<128xi32, #tpu.memory_space<vmem>>) semaphore(%arg14 : memref<!tpu.dma_semaphore, #tpu.memory_space<semaphore_mem>>)
        } else {
        }
        %mul3A_81 = arith.constant 128 : i32
        %mul3A_82 = arith.muli %add3A_55, %mul3A_81 : i32
        %add3A_83 = arith.addi %mul3A_2, %mul3A_82 : i32
        %dma_start3A_84 = arith.constant 0 : i32
        %dma_start3A_85 = tpu.memref_slice %arg4[%add3A_83, %dma_start3A_84] : memref<204800x128xf32, #tpu.memory_space<hbm>> -> memref<128x128xf32, #tpu.memory_space<hbm>>
        %dma_start3A_86 = arith.constant 0 : i32
        %dma_start3A_87 = tpu.memref_slice %arg4[%add3A_83, %dma_start3A_86] : memref<204800x128xf32, #tpu.memory_space<hbm>> -> memref<128x128xf32, #tpu.memory_space<hbm>>
        tpu.enqueue_dma source(%arg11 : memref<128x128xf32, #tpu.memory_space<vmem>>) target(%dma_start3A_87 : memref<128x128xf32, #tpu.memory_space<hbm>>) target_semaphore(%arg17 : memref<!tpu.dma_semaphore, #tpu.memory_space<semaphore_mem>>)
      } else {
      }
    }
    %scan3A_26 = arith.constant 17 : i32
    %dma_wait3A = arith.constant 0 : i32
    %dma_wait3A_27 = tpu.memref_slice %arg4[%mul3A_2, %dma_wait3A] : memref<204800x128xf32, #tpu.memory_space<hbm>> -> memref<128x128xf32, #tpu.memory_space<hbm>>
    %dma_wait3A_28 = arith.constant 0 : i32
    %dma_wait3A_29 = tpu.memref_slice %arg4[%mul3A_2, %dma_wait3A_28] : memref<204800x128xf32, #tpu.memory_space<hbm>> -> memref<128x128xf32, #tpu.memory_space<hbm>>
    tpu.wait_dma2 semaphore(%arg15 : memref<!tpu.dma_semaphore, #tpu.memory_space<semaphore_mem>>) src(%arg9 : memref<128x128xf32, #tpu.memory_space<vmem>>) dst(%dma_wait3A_29 : memref<128x128xf32, #tpu.memory_space<hbm>>)
    %dma_wait3A_30 = arith.constant 0 : i32
    %dma_wait3A_31 = tpu.memref_slice %arg4[%mul3A_2, %dma_wait3A_30] : memref<204800x128xf32, #tpu.memory_space<hbm>> -> memref<128x128xf32, #tpu.memory_space<hbm>>
    %dma_wait3A_32 = arith.constant 0 : i32
    %dma_wait3A_33 = tpu.memref_slice %arg4[%mul3A_2, %dma_wait3A_32] : memref<204800x128xf32, #tpu.memory_space<hbm>> -> memref<128x128xf32, #tpu.memory_space<hbm>>
    tpu.wait_dma2 semaphore(%arg16 : memref<!tpu.dma_semaphore, #tpu.memory_space<semaphore_mem>>) src(%arg10 : memref<128x128xf32, #tpu.memory_space<vmem>>) dst(%dma_wait3A_33 : memref<128x128xf32, #tpu.memory_space<hbm>>)
    %dma_wait3A_34 = arith.constant 0 : i32
    %dma_wait3A_35 = tpu.memref_slice %arg4[%mul3A_2, %dma_wait3A_34] : memref<204800x128xf32, #tpu.memory_space<hbm>> -> memref<128x128xf32, #tpu.memory_space<hbm>>
    %dma_wait3A_36 = arith.constant 0 : i32
    %dma_wait3A_37 = tpu.memref_slice %arg4[%mul3A_2, %dma_wait3A_36] : memref<204800x128xf32, #tpu.memory_space<hbm>> -> memref<128x128xf32, #tpu.memory_space<hbm>>
    tpu.wait_dma2 semaphore(%arg17 : memref<!tpu.dma_semaphore, #tpu.memory_space<semaphore_mem>>) src(%arg11 : memref<128x128xf32, #tpu.memory_space<vmem>>) dst(%dma_wait3A_37 : memref<128x128xf32, #tpu.memory_space<hbm>>)
    return
  }
}

</mosaic_0001>

<sc_bundles>
// kernel: kernel.3.cloned.1.call-start
scs
__scs_entry_jumppad:
0x0: {  	(pc) =	sbr.rel $0x88, $3  }
0x1: {  	(tag) =	ssettag $0x0;
	lr =	simm.s32 $0x1  }
0x2: {  	[smem:$0x3F9F] =	sst lr;
	_ =	strace $0xD0000000  }
0x3: {  	_ = 	snop  }
0x4: {  	_ = 	snop  }
0x5: {  	_ = 	snop  }
0x6: {  	_ = 	snop  }
0x7: {  	_ = 	snop  }
__scs_overlays_trampoline_lowered:
0x8: {  	[smem:$0x3FAE] =	sst s0  }
0x9: {  	[smem:$0x3FAF] =	sst s1  }
0xa: {  	[smem:$0x3FB0] =	sst s2  }
0xb: {  	[smem:$0x3FB1] =	sst s3  }
0xc: {  	[smem:$0x3FB2] =	sst s4  }
0xd: {  	[smem:$0x3FB3] =	sst s5  }
0xe: {  	[smem:$0x3FB4] =	sst s6  }
0xf: {  	[smem:$0x3FB5] =	sst s7  }
0x10: {  	[smem:$0x3FB6] =	sst s8  }
0x11: {  	[smem:$0x3FB7] =	sst s9;
	s0 =	simm.s32 @!p0 $0x0  }
0x12: {  	s1 =	sld [smem:$0x3F9D];
	s0 =	simm.s32 @p0 $0x1  }
0x13: {  	[smem:$0x3FB8] =	sst s0;
	s0 =	simm.s32 @!p1 $0x0  }
0x14: {  	s2 =	sld [smem:$0x3F9C];
	s0 =	simm.s32 @p1 $0x1  }
0x15: {  	[smem:$0x3FB9] =	sst s0;
	s0 =	simm.s32 @!p2 $0x0  }
0x16: {  	s3 =	sld [smem:$0x3FDB];
	s0 =	simm.s32 @p2 $0x1  }
0x17: {  	s4 =	simm.s32 $0x1BF5;
	[smem:$0x3FBB] =	sst s0  }
0x18: {  	s0 =	sld [smem:$0x3F9E];
	_ =	swait.ge [sflag:s4], $0x0  }
0x19: {  	s7 =	sld [smem:$0x3F9F]  }
0x1a: {  	s8 =	sadd.s32 $0xFFFFE003, lr  }
0x1b: {  	s9 =	sadd.s32 $0xFFFFFEF7, lr;
	s5 =	simm.s32 $0xFFFFFFFF;
	p2 =	slt.u32 s8, $0xFFFFF086  }
0x1c: {  	p1 =	slt.u32 s9, $0xF7A;
	s5 =	simm.s32 @!p2 $0x0  }
0x1d: {  	s5 =	simm.s32 @p1 $0x1;
	p0 =	seq.s32 s7, s2  }
0x1e: {  	s7 =	smul.u32 @!p0 $0xF7A, s2;
	p2 =	seq.s32 @!p0 s5, $0x0  }
0x1f: {  	s9 =	smul.u32 $0xF7A, s1;
	s8 =	simm.s32 @!p0 $0x1BF5;
	p2 =	por !p2, p0  }
0x20: {  	[sflag:s8] =	ssyncset.s32 @!p0 $0xFFFFF086;
	s6 =	sadd.s32 @!p0 s3, s7;
	s7 =	simm.s32 @!p0 $0x108  }
0x21: {  	s3 =	sadd.s32 s3, s9;
	s6 =	sadd.s32 @!p0 $0x88, s6;
	s7 =	simm.s32 @p2 $0x1082  }
0x22: {  	[simem:s7], [sflag:s8] =	dma.local @!p0 [hbm:s6], $0xF7A  }
0x23: {  	s9 =	sor.u32 $0xD0000000, s2;
	s6 =	simm.s32 $0x108;
	_ =	swait.ge @!p0 [sflag:s8], $0x0  }
0x24: {  	s3 =	sadd.s32 $0x88, s3;
	s6 =	simm.s32 @!p1 $0x1082;
	[sflag:s4] =	ssyncset.s32 $0xFFFFF086  }
0x25: {  	[simem:s6], [sflag:s4] =	dma.local [hbm:s3], $0xF7A  }
0x26: {  	[smem:$0x3F9F] =	sst s1;
	(tag) =	ssettag s2;
	_ =	strace s9  }
0x27: {  	s1 =	sld [smem:$0x3FAF]  }
0x28: {  	s2 =	sld [smem:$0x3FB0]  }
0x29: {  	s4 =	sld [smem:$0x3FB2]  }
0x2a: {  	p0 =	seq.s32 s5, $0x0;
	s5 =	sld [smem:$0x3FB3]  }
0x2b: {  	s6 =	sld [smem:$0x3FB4]  }
0x2c: {  	s7 =	sld [smem:$0x3FB5]  }
0x2d: {  	s3 =	simm.s32 $0x108;
	s8 =	sld [smem:$0x3FB6]  }
0x2e: {  	s3 =	simm.s32 @!p0 $0x1082;
	s9 =	sld [smem:$0x3FB7]  }
0x2f: {  	lr =	sadd.s32 s0, s3;
	s0 =	sld [smem:$0x3FAE]  }
0x30: {  	s3 =	sld [smem:$0x3FB1]  }
0x31: {  	[smem:$0x3FBA] =	sst s10  }
0x32: {  	s10 =	sld [smem:$0x3FB8];
	_ =	sdelay $0x3  }
0x33: {  	p0 =	seq.s32 s10, $0x1;
	s10 =	sld [smem:$0x3FBA];
	_ =	sdelay $0x3  }
0x34: {  	[smem:$0x3FBA] =	sst s10  }
0x35: {  	s10 =	sld [smem:$0x3FB9];
	_ =	sdelay $0x3  }
0x36: {  	p1 =	seq.s32 s10, $0x1;
	s10 =	sld [smem:$0x3FBA];
	_ =	sdelay $0x3  }
0x37: {  	[smem:$0x3FBA] =	sst s10  }
0x38: {  	s10 =	sld [smem:$0x3FBB]  }
0x39: {  	_ = 	snop;
	(pc) =	sbr.ind lr, $3  }
0x3a: {  	_ = 	snop  }
0x3b: {  	_ = 	snop  }
0x3c: {  	p2 =	seq.s32 s10, $0x1;
	s10 =	sld [smem:$0x3FBA]  }
0x3d: {  	_ =	shalt  }
0x3e: {  	_ =	shalt  }
0x3f: {  	_ =	shalt  }
0x40: {  	_ =	shalt  }
0x41: {  	_ =	shalt  }
0x42: {  	_ =	shalt  }
0x43: {  	_ =	shalt  }
0x44: {  	_ =	shalt  }
0x45: {  	_ =	shalt  }
0x46: {  	_ =	shalt  }
0x47: {  	_ =	shalt  }
0x48: {  	_ =	shalt  }
0x49: {  	_ =	shalt  }
0x4a: {  	_ =	shalt  }
0x4b: {  	_ =	shalt  }
0x4c: {  	_ =	shalt  }
0x4d: {  	_ =	shalt  }
0x4e: {  	_ =	shalt  }
0x4f: {  	_ =	shalt  }
0x50: {  	_ =	shalt  }
0x51: {  	_ =	shalt  }
0x52: {  	_ =	shalt  }
0x53: {  	_ =	shalt  }
0x54: {  	_ =	shalt  }
0x55: {  	_ =	shalt  }
0x56: {  	_ =	shalt  }
0x57: {  	_ =	shalt  }
0x58: {  	_ =	shalt  }
0x59: {  	_ =	shalt  }
0x5a: {  	_ =	shalt  }
0x5b: {  	_ =	shalt  }
0x5c: {  	_ =	shalt  }
0x5d: {  	_ =	shalt  }
0x5e: {  	_ =	shalt  }
0x5f: {  	_ =	shalt  }
0x60: {  	_ =	shalt  }
0x61: {  	_ =	shalt  }
0x62: {  	_ =	shalt  }
0x63: {  	_ =	shalt  }
0x64: {  	_ =	shalt  }
0x65: {  	_ =	shalt  }
0x66: {  	_ =	shalt  }
0x67: {  	_ =	shalt  }
0x68: {  	_ =	shalt  }
0x69: {  	_ =	shalt  }
0x6a: {  	_ =	shalt  }
0x6b: {  	_ =	shalt  }
0x6c: {  	_ =	shalt  }
0x6d: {  	_ =	shalt  }
0x6e: {  	_ =	shalt  }
0x6f: {  	_ =	shalt  }
0x70: {  	_ =	shalt  }
0x71: {  	_ =	shalt  }
0x72: {  	_ =	shalt  }
0x73: {  	_ =	shalt  }
0x74: {  	_ =	shalt  }
0x75: {  	_ =	shalt  }
0x76: {  	_ =	shalt  }
0x77: {  	_ =	shalt  }
0x78: {  	_ =	shalt  }
0x79: {  	_ =	shalt  }
0x7a: {  	_ =	shalt  }
0x7b: {  	_ =	shalt  }
0x7c: {  	_ =	shalt  }
0x7d: {  	_ =	shalt  }
0x7e: {  	_ =	shalt  }
0x7f: {  	_ =	shalt  }
0x80: {  	_ =	shalt  }
0x81: {  	_ =	shalt  }
0x82: {  	_ =	shalt  }
0x83: {  	_ =	shalt  }
0x84: {  	_ =	shalt  }
0x85: {  	_ =	shalt  }
0x86: {  	_ =	shalt  }
0x87: {  	_ =	shalt  }
.Lfunc_end0:
.L_simem_size_0:
called_computation_lowered:
.L_overlay_start_0:
0x88: {  	s2 =	sld [smem:$0x3FD9]  }
0x89: {  	s3 =	sld [smem:$0x3FFE];
	_ =	sdelay $0x1  }
0x8a: {  	s1 =	srdreg.scid  }
0x8b: {  	s0 =	sand.u32 $0x1, s1  }
0x8c: {  	s17 =	sshll.u32 s0, $0xA;
	s2 =	sadd.s32 s3, s2  }
0x8d: {  	s2 =	sadd.s32 s2, s17  }
0x8e: {  	[smem:$0x3FC6] =	sst s2  }
0x8f: {  	_ = 	snop  }
0x90: {  	s2 =	sld [smem:$0x3FC8]  }
0x91: {  	s18 =	sld [smem:$0x3FD0];
	(tm) =	ssettm $0x1  }
0x92: {  	s4 =	sld [smem:$0x3FFB];
	_ =	sdelay $0x3  }
0x93: {  	_ =	strace s4  }
0x94: {  	s4 =	sld [smem:$0x3FFC];
	_ =	sdelay $0x3  }
0x95: {  	_ =	strace s4  }
0x96: {  	s4 =	sld [smem:$0x3FFD];
	_ =	sdelay $0x3  }
0x97: {  	_ =	strace s4  }
0x98: {  	_ =	strace $0x8FFFFFFF  }
0x99: {  	s19 =	sld [smem:$0x3FDB];
	_ =	sdelay $0x1  }
0x9a: {  	s5 =	simm.s32 $_scs_section_size  }
0x9b: {  	s6 =	simm.s32 $_size__tile_overlayer_lowered;
	s7 =	simm.s32 $_tile_overlayer_lowered  }
0x9c: {  	s22 =	simm.s32 $0x1BFF;
	s21 =	sshll.u32 s7, $0x1;
	s4 =	sadd.s32 s5, s19  }
0x9d: {  	s8 =	simm.s32 $0x0;
	s20 =	sshll.u32 s6, $0x1;
	s6 =	sadd.s32 s21, s4  }
0x9e: {  	[timem:s8], [sflag:s22] =	dma.local [hbm:s6], s20  }
0x9f: {  	_ =	swait.ge [sflag:s22], s20  }
0xa0: {  	s5 =	ssub.s32 $0x0, s20;
	[sflag:s22] =	ssyncset.done $0x0  }
0xa1: {  	[sflag:s22] =	ssyncadd.s32 s5;
	_ =	sdelay $0x1  }
0xa2: {  	s23 =	simm.s32 $0x1B8B  }
0xa3: {  	_ =	swait.ge [sflag:s23], $0x1  }
0xa4: {  	[sflag:s23] =	ssyncset.done $0x0  }
0xa5: {  	s25 =	simm.s32 $0x1B8E;
	s24 =	sld [smem:$0x3FFE];
	[sflag:s23] =	ssyncadd.s32 $0xFFFFFFFF  }
0xa6: {  	s26 =	simm.s32 $execute0_lowered;
	[smem:$0x3FD2] =	sst s25  }
0xa7: {  	s6 =	sshll.u32 s26, $0x1;
	_ =	strace $0x80000046;
	[dreg:$0x1] =	wrdreg $0xFFFFFFFF  }
0xa8: {  	s28 =	simm.s32 $_size_execute0_lowered;
	s4 =	sadd.s32 s4, s6;
	[dreg:$0x0] =	wrdreg $0x0  }
0xa9: {  	s6 =	sshll.u32 s28, $0x1;
	[dreg:$0x2] =	wrdreg s4  }
0xaa: {  	[dreg:$0x3] =	wrdreg s6  }
0xab: {  	[dreg:$0x4] =	wrdreg $0xC0  }
0xac: {  	_ =	task [dreg:s8], $0x5FFFF  }
0xad: {  	[dreg:$0x1] =	wrdreg $0xFFFFFFFF  }
0xae: {  	[dreg:$0x0] =	wrdreg $0x60  }
0xaf: {  	[dreg:$0x2] =	wrdreg s24  }
0xb0: {  	[dreg:$0x3] =	wrdreg s2  }
0xb1: {  	[dreg:$0x4] =	wrdreg s18  }
0xb2: {  	[dreg:$0x5] =	wrdreg $0x9  }
0xb3: {  	_ =	task.clear_ibuf [dreg:s8], $0x6FFFF;
	_ =	strace $0x90000046  }
0xb4: {  	s29 =	simm.s32 $0x9;
	_ =	strace $0x80000048  }
0xb5: {  	_ =	swait.ge [sflag:s29], $0x1  }
0xb6: {  	[sflag:s29] =	ssyncadd.s32 $0xFFFFFFFF  }
0xb7: {  	_ =	strace $0x90000048  }
0xb8: {  	_ =	sfence  }
0xb9: {  	s30 =	sld [smem:$0x0];
	_ =	sdelay $0x2  }
0xba: {  	s31 =	sshll.u32 s1, $0xD;
	s1 =	sshrl.u32 s1, $0x2  }
0xbb: {  	s3 =	sand.u32 $0x4000, s31;
	s1 =	sadd.s32 s1, s30  }
0xbc: {  	s0 =	sor.u32 s3, s0;
	s1 =	sshll.u32 s1, $0x11  }
0xbd: {  	s0 =	sor.u32 s1, s0  }
0xbe: {  	s0 =	sadd.s32 $0x8F2B, s0  }
0xbf: {  	[sflag:s0] =	ssyncadd.remote.s32 $0x1  }
0xc0: {  	_ =	sfence.sel $0xFFFF  }
0xc1: {  	[dreg:$0x0] =	wrdreg $0xFFFFFFFF;
	(pc) =	sbr.abs _section_cstart, $3  }
0xc2: {  	[dreg:$0x1] =	wrdreg $0xFFFFFFFF  }
0xc3: {  	_ =	task.clear_ibuf [dreg:s8], $0x2FFFF;
	_ =	strace $0x9FFFFFFF  }
0xc4: {  	(tm) =	ssettm $0x7FFFFFFF  }
0xc5: {  	_ =	shalt  }
tec
execute0_lowered:
.L_overlay_start_1:
0x0: {  	(tag) =	ssettag $0x1  }
0x1: {  	s0 =	rddreg [dreg:$0x0]  }
0x2: {  	s2 =	rddreg [dreg:$0x1]  }
0x3: {  	s1 =	srdreg.scid;
	s4 =	stileid.u32  }
0x4: {  	s3 =	rddreg [dreg:$0x2];
	s12 =	simm.s32 $0x80;
	s14 =	simm.s32 $0x5C00  }
0x5: {  	s17 =	simm.s32 $0x1;
	s18 =	simm.s32 $0xDC00;
	s19 =	simm.s32 $0x2  }
0x6: {  	s20 =	simm.s32 $0x11C00;
	s22 =	simm.s32 $0x5;
	s23 =	simm.s32 $0x6  }
0x7: {  	s24 =	simm.s32 $0x3;
	s1 =	sand.u32 $0x1, s1;
	s4 =	sshll.u32 s4, $0x1  }
0x8: {  	s25 =	simm.s32 $0x15C00;
	s26 =	simm.s32 $0x0;
	s5 =	sor.u32 s1, s4  }
0x9: {  	s4 =	simm.s32 $0x0;
	s1 =	ssub.s32 $0x2, s1;
	s6 =	smul.u32 $0x380, s5  }
0xa: {  	[smem:$0x7FF] =	sst s4;
	s7 =	sshrl.u32 s1, $0x1;
	s8 =	smul.u32 $0xC8000, s5  }
.Ltmp0:
0xb: {  	_ =	strace $0x80000047;
	s0 =	sadd.s32 s6, s0;
	(pc) =	sbr.rel .LBB2_1-.Ltmp0, $4  }
0xc: {  	s1 =	ssub.s32 s1, s7;
	s30 =	sshrl.u32 s8, $0x3;
	s0 =	sadd.s32 $0x400, s0  }
0xd: {  	s31 =	smax.u32 s1, $0x1;
	[dreg:$0x4] =	wrdreg s0;
	s0 =	sadd.s32 s3, s30  }
0xe: {  	s5 =	smul.u32 $0x1900, s5;
	[dreg:$0x6] =	wrdreg s31;
	s0 =	sadd.s32 $0x18800, s0  }
0xf: {  	s7 =	sor.u32 $0x4000, s8;
	s8 =	sadd.s32 $0x8000, s8;
	[dreg:$0x5] =	wrdreg s0  }
.LBB2_12:
0x10: {  	s0 =	rddreg [dreg:$0x5]  }
0x11: {  	[hbm4b:s0+s4] =	stream.linear.scatter [tilespmem:s20], [sflag:$0x5], $0x4000, $0x38;
	[tilespmem:$0x19C00] =	vst v63  }
.LBB2_10:
0x12: {  	s0 =	simm.s32 $0x4  }
0x13: {  	_ =	swait.ge [sflag:s0], $0x4000  }
0x14: {  	[sflag:s0] =	ssyncset.done $0x0  }
0x15: {  	[sflag:s0] =	ssyncadd.s32 $0xFFFFC000  }
0x16: {  	_ =	swait.ge [sflag:s22], $0x4000  }
0x17: {  	[sflag:s22] =	ssyncset.done $0x0  }
0x18: {  	[sflag:s22] =	ssyncadd.s32 $0xFFFFC000  }
0x19: {  	_ =	swait.ge [sflag:s23], $0x4000  }
0x1a: {  	s26 =	sadd.s32 $0x1, s26;
	s31 =	rddreg [dreg:$0x6]  }
0x1b: {  	p0 =	sne.s32 s26, s31  }
.Ltmp1:
0x1c: {  	_ = 	snop;
	(pc) =	sbr.rel @!p0 .LBB2_11-.Ltmp1, $3  }
0x1d: {  	_ =	sdelay $0x1  }
0x1e: {  	[sflag:s23] =	ssyncset.done $0x0  }
0x1f: {  	[sflag:s23] =	ssyncadd.s32 $0xFFFFC000  }
.LBB2_1:
0x20: {  	s0 =	rddreg [dreg:$0x4];
	s29 =	simm.s32 $0x7  }
0x21: {  	[tilespmem:s4], [sflag:$0x7] =	stream.linear.gather [hbm4b:s0+s4], $0x1900, $0x38;
	[tilespmem:$0x19C00] =	vst v63  }
0x22: {  	_ =	swait.ge [sflag:s29], $0x1900  }
0x23: {  	[sflag:s29] =	ssyncset.done $0x0  }
0x24: {  	s30 =	simm.s32 $0x1C00;
	[sflag:s29] =	ssyncadd.s32 $0xFFFFE700  }
0x25: {  	[tilespmem:s30], [sflag:$0x1] =	stream.indirect.gather [hbm4b:s2+s12], $0x80, s4, s12, $0xb8;
	[tilespmem:$0x19C00] =	vst v63  }
0x26: {  	_ = 	snop  }
0x27: {  	[tilespmem:s14], [sflag:$0x2] =	stream.indirect.gather [hbm4b:s2+s12], $0x80, s12, s12, $0xb8;
	[tilespmem:$0x19C00] =	vst v63  }
0x28: {  	s31 =	simm.s32 $0x100;
	s1 =	simm.s32 $0x9C00;
	s28 =	simm.s32 $0x0  }
0x29: {  	[tilespmem:s1], [sflag:$0x3] =	stream.indirect.gather [hbm4b:s2+s12], $0x80, s31, s12, $0xb8;
	[tilespmem:$0x19C00] =	vst v63  }
.LBB2_2:
0x2a: {  	_ =	swait.ge [sflag:s17], $0x4000  }
0x2b: {  	p0 =	seq.s32 s28, $0x0;
	[sflag:s17] =	ssyncset.done $0x0  }
0x2c: {  	s0 =	simm.s32 @!p0 $0x4;
	[sflag:s17] =	ssyncadd.s32 $0xFFFFC000  }
0x2d: {  	_ =	swait.ge @!p0 [sflag:s0], $0x4000  }
0x2e: {  	[sflag:s0] =	ssyncset.done @!p0 $0x0  }
0x2f: {  	s9 =	simm.s32 $0x1C80;
	[sflag:s0] =	ssyncadd.s32 @!p0 $0xFFFFC000  }
0x30: {  	v0 =	vld [tilespmem:s9+$0x0];
	_ =	sdelay $0x3  }
0x31: {  	v1 =	vld [tilespmem:s9+$0xFFFFFF80]  }
0x32: {  	v0 =	vmul.f32 $1.131370830e+01, v0  }
0x33: {  	s29 =	simm.s32 $0xDC80  }
0x34: {  	[tilespmem:s29+$0x0] =	vst v0  }
0x35: {  	v0 =	vld [tilespmem:s9+$0x10]  }
0x36: {  	v1 =	vmul.f32 $1.131370830e+01, v1;
	_ =	sdelay $0x1  }
0x37: {  	[tilespmem:s29+$0xFFFFFF80] =	vst v1  }
0x38: {  	v1 =	vld [tilespmem:s9+$0xFFFFFF90]  }
0x39: {  	v0 =	vmul.f32 $1.131370830e+01, v0  }
0x3a: {  	s0 =	simm.s32 $0x1D80  }
0x3b: {  	[tilespmem:s29+$0x10] =	vst v0;
	v0 =	vld [tilespmem:s0+$0x0]  }
0x3c: {  	v2 =	vld [tilespmem:s9+$0x20]  }
0x3d: {  	v1 =	vmul.f32 $1.131370830e+01, v1;
	_ =	sdelay $0x1  }
0x3e: {  	[tilespmem:s29+$0xFFFFFF90] =	vst v1;
	v1 =	vld [tilespmem:s0+$0xFFFFFF80]  }
0x3f: {  	v3 =	vld [tilespmem:s9+$0xFFFFFFA0];
	v0 =	vmul.f32 $1.131370830e+01, v0  }
0x40: {  	s30 =	simm.s32 $0xDD80;
	v2 =	vmul.f32 $1.131370830e+01, v2  }
0x41: {  	[tilespmem:s30+$0x0] =	vst v0  }
0x42: {  	v0 =	vld [tilespmem:s0+$0x10];
	[tilespmem:s29+$0x20] =	vst v2  }
0x43: {  	v1 =	vmul.f32 $1.131370830e+01, v1;
	v2 =	vld [tilespmem:s9+$0x30]  }
0x44: {  	v3 =	vmul.f32 $1.131370830e+01, v3  }
0x45: {  	[tilespmem:s30+$0xFFFFFF80] =	vst v1  }
0x46: {  	v1 =	vld [tilespmem:s0+$0xFFFFFF90];
	[tilespmem:s29+$0xFFFFFFA0] =	vst v3  }
0x47: {  	v3 =	vld [tilespmem:s9+$0xFFFFFFB0];
	v0 =	vmul.f32 $1.131370830e+01, v0  }
0x48: {  	s13 =	simm.s32 $0x1E80;
	v2 =	vmul.f32 $1.131370830e+01, v2  }
0x49: {  	[tilespmem:s30+$0x10] =	vst v0;
	v0 =	vld [tilespmem:s13+$0x0]  }
0x4a: {  	[tilespmem:s29+$0x30] =	vst v2;
	v2 =	vld [tilespmem:s0+$0x20]  }
0x4b: {  	v1 =	vmul.f32 $1.131370830e+01, v1;
	v4 =	vld [tilespmem:s9+$0x40]  }
0x4c: {  	v3 =	vmul.f32 $1.131370830e+01, v3  }
0x4d: {  	[tilespmem:s30+$0xFFFFFF90] =	vst v1;
	v1 =	vld [tilespmem:s13+$0xFFFFFF80]  }
0x4e: {  	[tilespmem:s29+$0xFFFFFFB0] =	vst v3;
	v3 =	vld [tilespmem:s0+$0xFFFFFFA0];
	v0 =	vmul.f32 $1.131370830e+01, v0  }
0x4f: {  	s1 =	simm.s32 $0xDE80;
	v5 =	vld [tilespmem:s9+$0xFFFFFFC0];
	v2 =	vmul.f32 $1.131370830e+01, v2  }
0x50: {  	[tilespmem:s1+$0x0] =	vst v0;
	v0 =	vmul.f32 $1.131370830e+01, v4  }
0x51: {  	v4 =	vld [tilespmem:s13+$0x10];
	[tilespmem:s30+$0x20] =	vst v2  }
0x52: {  	v1 =	vmul.f32 $1.131370830e+01, v1;
	v2 =	vld [tilespmem:s0+$0x30];
	[tilespmem:s29+$0x40] =	vst v0  }
0x53: {  	v0 =	vmul.f32 $1.131370830e+01, v3;
	v3 =	vld [tilespmem:s9+$0x50]  }
0x54: {  	[tilespmem:s1+$0xFFFFFF80] =	vst v1;
	v1 =	vmul.f32 $1.131370830e+01, v5  }
0x55: {  	v5 =	vld [tilespmem:s13+$0xFFFFFF90];
	[tilespmem:s30+$0xFFFFFFA0] =	vst v0  }
0x56: {  	[tilespmem:s29+$0xFFFFFFC0] =	vst v1;
	v0 =	vmul.f32 $1.131370830e+01, v4;
	v4 =	vld [tilespmem:s0+$0xFFFFFFB0]  }
0x57: {  	s15 =	simm.s32 $0x1F80;
	v1 =	vmul.f32 $1.131370830e+01, v2;
	v2 =	vld [tilespmem:s9+$0xFFFFFFD0]  }
0x58: {  	[tilespmem:s1+$0x10] =	vst v0;
	v0 =	vmul.f32 $1.131370830e+01, v3;
	v3 =	vld [tilespmem:s15+$0x0]  }
0x59: {  	[tilespmem:s30+$0x30] =	vst v1;
	v1 =	vld [tilespmem:s13+$0x20]  }
0x5a: {  	v5 =	vmul.f32 $1.131370830e+01, v5;
	[tilespmem:s29+$0x50] =	vst v0;
	v0 =	vld [tilespmem:s0+$0x40]  }
0x5b: {  	v4 =	vmul.f32 $1.131370830e+01, v4;
	v6 =	vld [tilespmem:s9+$0x60]  }
0x5c: {  	[tilespmem:s1+$0xFFFFFF90] =	vst v5;
	v5 =	vld [tilespmem:s15+$0xFFFFFF80];
	v2 =	vmul.f32 $1.131370830e+01, v2  }
0x5d: {  	[tilespmem:s30+$0xFFFFFFB0] =	vst v4;
	v3 =	vmul.f32 $1.131370830e+01, v3;
	v4 =	vld [tilespmem:s13+$0xFFFFFFA0]  }
0x5e: {  	s31 =	simm.s32 $0xDF80;
	[tilespmem:s29+$0xFFFFFFD0] =	vst v2;
	v1 =	vmul.f32 $1.131370830e+01, v1;
	v2 =	vld [tilespmem:s0+$0xFFFFFFC0]  }
0x5f: {  	[tilespmem:s31+$0x0] =	vst v3;
	v0 =	vmul.f32 $1.131370830e+01, v0;
	v3 =	vld [tilespmem:s9+$0xFFFFFFE0]  }
0x60: {  	v7 =	vld [tilespmem:s15+$0x10];
	[tilespmem:s1+$0x20] =	vst v1;
	v1 =	vmul.f32 $1.131370830e+01, v6  }
0x61: {  	v5 =	vmul.f32 $1.131370830e+01, v5;
	v6 =	vld [tilespmem:s13+$0x30];
	[tilespmem:s30+$0x40] =	vst v0  }
0x62: {  	v4 =	vmul.f32 $1.131370830e+01, v4;
	v8 =	vld [tilespmem:s0+$0x50];
	[tilespmem:s29+$0x60] =	vst v1  }
0x63: {  	[tilespmem:s31+$0xFFFFFF80] =	vst v5;
	v1 =	vmul.f32 $1.131370830e+01, v2;
	v0 =	vld [tilespmem:s9+$0x70]  }
0x64: {  	v5 =	vld [tilespmem:s15+$0xFFFFFF90];
	[tilespmem:s1+$0xFFFFFFA0] =	vst v4;
	v3 =	vmul.f32 $1.131370830e+01, v3  }
0x65: {  	v7 =	vmul.f32 $1.131370830e+01, v7;
	v4 =	vld [tilespmem:s13+$0xFFFFFFB0];
	[tilespmem:s30+$0xFFFFFFC0] =	vst v1  }
0x66: {  	v2 =	vld [tilespmem:s0+$0xFFFFFFD0];
	[tilespmem:s29+$0xFFFFFFE0] =	vst v3;
	v6 =	vmul.f32 $1.131370830e+01, v6  }
0x67: {  	s6 =	simm.s32 $0x6;
	s10 =	simm.s32 $0x2080;
	s16 =	simm.s32 $0xDF80;
	[tilespmem:s31+$0x10] =	vst v7;
	v3 =	vmul.f32 $1.131370830e+01, v8;
	v1 =	vld [tilespmem:s9+$0xFFFFFFF0]  }
.LBB2_3:
0x68: {  	v7 =	vld [tilespmem:s10+$0x0];
	[tilespmem:s1+$0x30] =	vst v6;
	v0 =	vmul.f32 $1.131370830e+01, v0;
	s9 =	smov.u32 s15;
	s15 =	smov.u32 s10  }
0x69: {  	v5 =	vmul.f32 $1.131370830e+01, v5;
	v6 =	vld [tilespmem:s9+$0x20];
	[tilespmem:s30+$0x50] =	vst v3  }
0x6a: {  	v3 =	vmul.f32 $1.131370830e+01, v4;
	v4 =	vld [tilespmem:s13+$0x40];
	[tilespmem:s29+$0x70] =	vst v0  }
0x6b: {  	s6 =	sadd.s32 $0x2, s6;
	[tilespmem:s31+$0xFFFFFF90] =	vst v5;
	v0 =	vmul.f32 $1.131370830e+01, v2;
	v2 =	vld [tilespmem:s0+$0x60]  }
0x6c: {  	p1 =	slt.u32 s6, $0x7E;
	v5 =	vld [tilespmem:s10+$0xFFFFFF80];
	[tilespmem:s1+$0xFFFFFFB0] =	vst v3;
	v1 =	vmul.f32 $1.131370830e+01, v1  }
0x6d: {  	v3 =	vmul.f32 $1.131370830e+01, v7;
	v7 =	vld [tilespmem:s9+$0xFFFFFFA0];
	[tilespmem:s30+$0xFFFFFFD0] =	vst v0  }
0x6e: {  	s31 =	sadd.s32 $0x100, s31;
	v0 =	vmul.f32 $1.131370830e+01, v6;
	v6 =	vld [tilespmem:s13+$0xFFFFFFC0];
	[tilespmem:s29+$0xFFFFFFF0] =	vst v1;
	s29 =	smov.u32 s30;
	s30 =	smov.u32 s1  }
0x6f: {  	s1 =	smov.u32 s16;
	s16 =	smov.u32 s31;
	[tilespmem:s31+$0x0] =	vst v3;
	v1 =	vmul.f32 $1.131370830e+01, v4;
	v3 =	vld [tilespmem:s0+$0xFFFFFFE0]  }
0x70: {  	v4 =	vld [tilespmem:s10+$0x10];
	[tilespmem:s1+$0x20] =	vst v0;
	v0 =	vmul.f32 $1.131370830e+01, v2  }
0x71: {  	v2 =	vmul.f32 $1.131370830e+01, v5;
	v8 =	vld [tilespmem:s9+$0x30];
	[tilespmem:s30+$0x40] =	vst v1  }
0x72: {  	v1 =	vmul.f32 $1.131370830e+01, v7;
	v7 =	vld [tilespmem:s13+$0x50];
	[tilespmem:s29+$0x60] =	vst v0  }
.Ltmp2:
0x73: {  	[tilespmem:s31+$0xFFFFFF80] =	vst v2;
	v2 =	vmul.f32 $1.131370830e+01, v6;
	v0 =	vld [tilespmem:s0+$0x70];
	(pc) =	sbr.rel @p1 .LBB2_3-.Ltmp2, $4  }
0x74: {  	v5 =	vld [tilespmem:s10+$0xFFFFFF90];
	[tilespmem:s1+$0xFFFFFFA0] =	vst v1;
	v1 =	vmul.f32 $1.131370830e+01, v3  }
0x75: {  	v3 =	vmul.f32 $1.131370830e+01, v4;
	v4 =	vld [tilespmem:s9+$0xFFFFFFB0];
	[tilespmem:s30+$0xFFFFFFC0] =	vst v2  }
0x76: {  	v6 =	vmul.f32 $1.131370830e+01, v8;
	v2 =	vld [tilespmem:s13+$0xFFFFFFD0];
	[tilespmem:s29+$0xFFFFFFE0] =	vst v1  }
0x77: {  	s10 =	sadd.s32 $0x100, s10;
	[tilespmem:s31+$0x10] =	vst v3;
	v3 =	vmul.f32 $1.131370830e+01, v7;
	v1 =	vld [tilespmem:s0+$0xFFFFFFF0];
	s0 =	smov.u32 s13;
	s13 =	smov.u32 s9  }
0x78: {  	_ = 	snop  }
0x79: {  	v5 =	vmul.f32 $1.131370830e+01, v5;
	_ =	sdelay $0x1  }
0x7a: {  	v7 =	vld [tilespmem:s15+$0x20];
	[tilespmem:s31+$0xFFFFFF90] =	vst v5  }
0x7b: {  	v5 =	vld [tilespmem:s15+$0xFFFFFFA0];
	_ =	sdelay $0x3  }
0x7c: {  	v7 =	vmul.f32 $1.131370830e+01, v7  }
0x7d: {  	v5 =	vmul.f32 $1.131370830e+01, v5  }
0x7e: {  	[tilespmem:s16+$0x20] =	vst v7  }
0x7f: {  	v7 =	vld [tilespmem:s15+$0x30];
	[tilespmem:s16+$0xFFFFFFA0] =	vst v5  }
0x80: {  	v5 =	vld [tilespmem:s15+$0xFFFFFFB0];
	_ =	sdelay $0x2  }
0x81: {  	v4 =	vmul.f32 $1.131370830e+01, v4  }
0x82: {  	[tilespmem:s1+$0x30] =	vst v6;
	v6 =	vmul.f32 $1.131370830e+01, v7  }
0x83: {  	[tilespmem:s1+$0xFFFFFFB0] =	vst v4;
	v7 =	vld [tilespmem:s13+$0x40];
	v4 =	vmul.f32 $1.131370830e+01, v5  }
0x84: {  	[tilespmem:s16+$0x30] =	vst v6;
	v5 =	vld [tilespmem:s13+$0xFFFFFFC0]  }
0x85: {  	v6 =	vld [tilespmem:s15+$0x40];
	[tilespmem:s16+$0xFFFFFFB0] =	vst v4  }
0x86: {  	v4 =	vld [tilespmem:s15+$0xFFFFFFC0];
	_ =	sdelay $0x1  }
0x87: {  	v7 =	vmul.f32 $1.131370830e+01, v7  }
0x88: {  	v5 =	vmul.f32 $1.131370830e+01, v5  }
0x89: {  	[tilespmem:s1+$0x40] =	vst v7;
	v6 =	vmul.f32 $1.131370830e+01, v6  }
0x8a: {  	v7 =	vld [tilespmem:s13+$0x50];
	[tilespmem:s1+$0xFFFFFFC0] =	vst v5;
	v4 =	vmul.f32 $1.131370830e+01, v4  }
0x8b: {  	[tilespmem:s16+$0x40] =	vst v6;
	v5 =	vld [tilespmem:s13+$0xFFFFFFD0]  }
0x8c: {  	v6 =	vld [tilespmem:s15+$0x50];
	[tilespmem:s16+$0xFFFFFFC0] =	vst v4  }
0x8d: {  	v4 =	vld [tilespmem:s15+$0xFFFFFFD0]  }
0x8e: {  	v2 =	vmul.f32 $1.131370830e+01, v2  }
0x8f: {  	[tilespmem:s30+$0x50] =	vst v3;
	v3 =	vmul.f32 $1.131370830e+01, v7  }
0x90: {  	[tilespmem:s30+$0xFFFFFFD0] =	vst v2;
	v7 =	vld [tilespmem:s0+$0x60];
	v2 =	vmul.f32 $1.131370830e+01, v5  }
0x91: {  	[tilespmem:s1+$0x50] =	vst v3;
	v3 =	vmul.f32 $1.131370830e+01, v6;
	v5 =	vld [tilespmem:s0+$0xFFFFFFE0]  }
0x92: {  	v6 =	vld [tilespmem:s13+$0x60];
	[tilespmem:s1+$0xFFFFFFD0] =	vst v2;
	v2 =	vmul.f32 $1.131370830e+01, v4  }
0x93: {  	[tilespmem:s16+$0x50] =	vst v3;
	v4 =	vld [tilespmem:s13+$0xFFFFFFE0]  }
0x94: {  	v3 =	vld [tilespmem:s15+$0x60];
	[tilespmem:s16+$0xFFFFFFD0] =	vst v2  }
0x95: {  	v2 =	vmul.f32 $1.131370830e+01, v7;
	v7 =	vld [tilespmem:s15+$0xFFFFFFE0]  }
0x96: {  	v5 =	vmul.f32 $1.131370830e+01, v5  }
0x97: {  	[tilespmem:s30+$0x60] =	vst v2;
	v2 =	vmul.f32 $1.131370830e+01, v6  }
0x98: {  	[tilespmem:s30+$0xFFFFFFE0] =	vst v5;
	v6 =	vld [tilespmem:s0+$0x70];
	v4 =	vmul.f32 $1.131370830e+01, v4  }
0x99: {  	v5 =	vld [tilespmem:s0+$0xFFFFFFF0];
	[tilespmem:s1+$0x60] =	vst v2;
	v2 =	vmul.f32 $1.131370830e+01, v3  }
0x9a: {  	v3 =	vld [tilespmem:s13+$0x70];
	[tilespmem:s1+$0xFFFFFFE0] =	vst v4;
	v4 =	vmul.f32 $1.131370830e+01, v7  }
0x9b: {  	v0 =	vmul.f32 $1.131370830e+01, v0;
	v7 =	vld [tilespmem:s13+$0xFFFFFFF0];
	[tilespmem:s16+$0x60] =	vst v2  }
0x9c: {  	v1 =	vmul.f32 $1.131370830e+01, v1;
	v2 =	vld [tilespmem:s15+$0x70];
	[tilespmem:s16+$0xFFFFFFE0] =	vst v4  }
0x9d: {  	[tilespmem:s29+$0x70] =	vst v0;
	v0 =	vmul.f32 $1.131370830e+01, v6;
	v4 =	vld [tilespmem:s15+$0xFFFFFFF0]  }
0x9e: {  	[tilespmem:s29+$0xFFFFFFF0] =	vst v1;
	v1 =	vmul.f32 $1.131370830e+01, v5  }
0x9f: {  	[tilespmem:s30+$0x70] =	vst v0;
	v0 =	vmul.f32 $1.131370830e+01, v3  }
0xa0: {  	p1 =	seq.s32 s28, $0x10;
	[tilespmem:s30+$0xFFFFFFF0] =	vst v1;
	v1 =	vmul.f32 $1.131370830e+01, v7  }
0xa1: {  	s0 =	smul.u32 @!p1 $0x600, s28;
	[tilespmem:s1+$0x70] =	vst v0;
	v0 =	vmul.f32 $1.131370830e+01, v2  }
0xa2: {  	s9 =	smul.u32 $0x180, s28;
	[tilespmem:s1+$0xFFFFFFF0] =	vst v1;
	v1 =	vmul.f32 $1.131370830e+01, v4  }
0xa3: {  	s6 =	simm.s32 @!p1 $0x1C00;
	s0 =	sshra.s32 @!p1 s0, $0x2;
	[tilespmem:s16+$0x70] =	vst v0  }
0xa4: {  	s21 =	sadd.s32 s5, s9;
	s0 =	sadd.s32 @!p1 $0x180, s0;
	s1 =	simm.s32 @!p1 $0x80;
	[tilespmem:s16+$0xFFFFFFF0] =	vst v1  }
0xa5: {  	[tilespmem:s6], [sflag:$0x1] =	stream.indirect.gather @!p1 [hbm4b:s2+s1], $0x80, s0, s1, $0xb8;
	[tilespmem:$0x19C00] =	vst v63  }
0xa6: {  	s0 =	sshll.u32 s21, $0x4  }
0xa7: {  	s0 =	sadd.s32 s3, s0  }
0xa8: {  	[hbm4b:s0+s4] =	stream.linear.scatter [tilespmem:s18], [sflag:$0x4], $0x4000, $0x38;
	[tilespmem:$0x19C00] =	vst v63  }
0xa9: {  	_ =	swait.ge [sflag:s19], $0x4000  }
0xaa: {  	[sflag:s19] =	ssyncset.done $0x0  }
0xab: {  	s0 =	simm.s32 @!p0 $0x5;
	[sflag:s19] =	ssyncadd.s32 $0xFFFFC000  }
0xac: {  	_ =	swait.ge @!p0 [sflag:s0], $0x4000  }
0xad: {  	[sflag:s0] =	ssyncset.done @!p0 $0x0  }
0xae: {  	s31 =	simm.s32 $0x5C80;
	[sflag:s0] =	ssyncadd.s32 @!p0 $0xFFFFC000  }
0xaf: {  	v0 =	vld [tilespmem:s31+$0x0];
	_ =	sdelay $0x3  }
0xb0: {  	v1 =	vld [tilespmem:s31+$0xFFFFFF80]  }
0xb1: {  	v0 =	vmul.f32 $1.131370830e+01, v0  }
0xb2: {  	s29 =	simm.s32 $0x11C80  }
0xb3: {  	[tilespmem:s29+$0x0] =	vst v0  }
0xb4: {  	v0 =	vld [tilespmem:s31+$0x10]  }
0xb5: {  	v1 =	vmul.f32 $1.131370830e+01, v1;
	_ =	sdelay $0x1  }
0xb6: {  	[tilespmem:s29+$0xFFFFFF80] =	vst v1  }
0xb7: {  	v1 =	vld [tilespmem:s31+$0xFFFFFF90]  }
0xb8: {  	v0 =	vmul.f32 $1.131370830e+01, v0  }
0xb9: {  	s1 =	simm.s32 $0x5D80  }
0xba: {  	[tilespmem:s29+$0x10] =	vst v0;
	v0 =	vld [tilespmem:s1+$0x0]  }
0xbb: {  	v2 =	vld [tilespmem:s31+$0x20]  }
0xbc: {  	v1 =	vmul.f32 $1.131370830e+01, v1;
	_ =	sdelay $0x1  }
0xbd: {  	[tilespmem:s29+$0xFFFFFF90] =	vst v1;
	v1 =	vld [tilespmem:s1+$0xFFFFFF80]  }
0xbe: {  	v3 =	vld [tilespmem:s31+$0xFFFFFFA0];
	v0 =	vmul.f32 $1.131370830e+01, v0  }
0xbf: {  	s30 =	simm.s32 $0x11D80;
	v2 =	vmul.f32 $1.131370830e+01, v2  }
0xc0: {  	[tilespmem:s30+$0x0] =	vst v0  }
0xc1: {  	v0 =	vld [tilespmem:s1+$0x10];
	[tilespmem:s29+$0x20] =	vst v2  }
0xc2: {  	v1 =	vmul.f32 $1.131370830e+01, v1;
	v2 =	vld [tilespmem:s31+$0x30]  }
0xc3: {  	v3 =	vmul.f32 $1.131370830e+01, v3  }
0xc4: {  	[tilespmem:s30+$0xFFFFFF80] =	vst v1  }
0xc5: {  	v1 =	vld [tilespmem:s1+$0xFFFFFF90];
	[tilespmem:s29+$0xFFFFFFA0] =	vst v3  }
0xc6: {  	v3 =	vld [tilespmem:s31+$0xFFFFFFB0];
	v0 =	vmul.f32 $1.131370830e+01, v0  }
0xc7: {  	s0 =	simm.s32 $0x5E80;
	v2 =	vmul.f32 $1.131370830e+01, v2  }
0xc8: {  	[tilespmem:s30+$0x10] =	vst v0;
	v0 =	vld [tilespmem:s0+$0x0]  }
0xc9: {  	[tilespmem:s29+$0x30] =	vst v2;
	v2 =	vld [tilespmem:s1+$0x20]  }
0xca: {  	v1 =	vmul.f32 $1.131370830e+01, v1;
	v4 =	vld [tilespmem:s31+$0x40]  }
0xcb: {  	v3 =	vmul.f32 $1.131370830e+01, v3  }
0xcc: {  	[tilespmem:s30+$0xFFFFFF90] =	vst v1;
	v1 =	vld [tilespmem:s0+$0xFFFFFF80]  }
0xcd: {  	[tilespmem:s29+$0xFFFFFFB0] =	vst v3;
	v3 =	vld [tilespmem:s1+$0xFFFFFFA0];
	v0 =	vmul.f32 $1.131370830e+01, v0  }
0xce: {  	s13 =	simm.s32 $0x11E80;
	v5 =	vld [tilespmem:s31+$0xFFFFFFC0];
	v2 =	vmul.f32 $1.131370830e+01, v2  }
0xcf: {  	[tilespmem:s13+$0x0] =	vst v0;
	v0 =	vmul.f32 $1.131370830e+01, v4  }
0xd0: {  	v4 =	vld [tilespmem:s0+$0x10];
	[tilespmem:s30+$0x20] =	vst v2  }
0xd1: {  	v1 =	vmul.f32 $1.131370830e+01, v1;
	v2 =	vld [tilespmem:s1+$0x30];
	[tilespmem:s29+$0x40] =	vst v0  }
0xd2: {  	v0 =	vmul.f32 $1.131370830e+01, v3;
	v3 =	vld [tilespmem:s31+$0x50]  }
0xd3: {  	[tilespmem:s13+$0xFFFFFF80] =	vst v1;
	v1 =	vmul.f32 $1.131370830e+01, v5  }
0xd4: {  	v5 =	vld [tilespmem:s0+$0xFFFFFF90];
	[tilespmem:s30+$0xFFFFFFA0] =	vst v0  }
0xd5: {  	[tilespmem:s29+$0xFFFFFFC0] =	vst v1;
	v0 =	vmul.f32 $1.131370830e+01, v4;
	v4 =	vld [tilespmem:s1+$0xFFFFFFB0]  }
0xd6: {  	s15 =	simm.s32 $0x5F80;
	v1 =	vmul.f32 $1.131370830e+01, v2;
	v2 =	vld [tilespmem:s31+$0xFFFFFFD0]  }
0xd7: {  	[tilespmem:s13+$0x10] =	vst v0;
	v0 =	vmul.f32 $1.131370830e+01, v3;
	v3 =	vld [tilespmem:s15+$0x0]  }
0xd8: {  	[tilespmem:s30+$0x30] =	vst v1;
	v1 =	vld [tilespmem:s0+$0x20]  }
0xd9: {  	v5 =	vmul.f32 $1.131370830e+01, v5;
	[tilespmem:s29+$0x50] =	vst v0;
	v0 =	vld [tilespmem:s1+$0x40]  }
0xda: {  	v4 =	vmul.f32 $1.131370830e+01, v4;
	v6 =	vld [tilespmem:s31+$0x60]  }
0xdb: {  	[tilespmem:s13+$0xFFFFFF90] =	vst v5;
	v5 =	vld [tilespmem:s15+$0xFFFFFF80];
	v2 =	vmul.f32 $1.131370830e+01, v2  }
0xdc: {  	[tilespmem:s30+$0xFFFFFFB0] =	vst v4;
	v3 =	vmul.f32 $1.131370830e+01, v3;
	v4 =	vld [tilespmem:s0+$0xFFFFFFA0]  }
0xdd: {  	s16 =	simm.s32 $0x11F80;
	[tilespmem:s29+$0xFFFFFFD0] =	vst v2;
	v1 =	vmul.f32 $1.131370830e+01, v1;
	v2 =	vld [tilespmem:s1+$0xFFFFFFC0]  }
0xde: {  	[tilespmem:s16+$0x0] =	vst v3;
	v0 =	vmul.f32 $1.131370830e+01, v0;
	v3 =	vld [tilespmem:s31+$0xFFFFFFE0]  }
0xdf: {  	v7 =	vld [tilespmem:s15+$0x10];
	[tilespmem:s13+$0x20] =	vst v1;
	v1 =	vmul.f32 $1.131370830e+01, v6  }
0xe0: {  	v5 =	vmul.f32 $1.131370830e+01, v5;
	v6 =	vld [tilespmem:s0+$0x30];
	[tilespmem:s30+$0x40] =	vst v0  }
0xe1: {  	v4 =	vmul.f32 $1.131370830e+01, v4;
	v8 =	vld [tilespmem:s1+$0x50];
	[tilespmem:s29+$0x60] =	vst v1  }
0xe2: {  	[tilespmem:s16+$0xFFFFFF80] =	vst v5;
	v1 =	vmul.f32 $1.131370830e+01, v2;
	v0 =	vld [tilespmem:s31+$0x70]  }
0xe3: {  	v5 =	vld [tilespmem:s15+$0xFFFFFF90];
	[tilespmem:s13+$0xFFFFFFA0] =	vst v4;
	v3 =	vmul.f32 $1.131370830e+01, v3  }
0xe4: {  	v7 =	vmul.f32 $1.131370830e+01, v7;
	v4 =	vld [tilespmem:s0+$0xFFFFFFB0];
	[tilespmem:s30+$0xFFFFFFC0] =	vst v1  }
0xe5: {  	v2 =	vld [tilespmem:s1+$0xFFFFFFD0];
	[tilespmem:s29+$0xFFFFFFE0] =	vst v3;
	v6 =	vmul.f32 $1.131370830e+01, v6  }
0xe6: {  	s10 =	simm.s32 $0x6080;
	s9 =	simm.s32 $0x11F80;
	s6 =	simm.s32 $0x6;
	[tilespmem:s16+$0x10] =	vst v7;
	v3 =	vmul.f32 $1.131370830e+01, v8;
	v1 =	vld [tilespmem:s31+$0xFFFFFFF0]  }
.LBB2_5:
0xe7: {  	v7 =	vld [tilespmem:s10+$0x0];
	[tilespmem:s13+$0x30] =	vst v6;
	v0 =	vmul.f32 $1.131370830e+01, v0;
	s11 =	smov.u32 s15;
	s15 =	smov.u32 s10  }
0xe8: {  	v5 =	vmul.f32 $1.131370830e+01, v5;
	v6 =	vld [tilespmem:s11+$0x20];
	[tilespmem:s30+$0x50] =	vst v3  }
0xe9: {  	v3 =	vmul.f32 $1.131370830e+01, v4;
	v4 =	vld [tilespmem:s0+$0x40];
	[tilespmem:s29+$0x70] =	vst v0  }
0xea: {  	s6 =	sadd.s32 $0x2, s6;
	[tilespmem:s16+$0xFFFFFF90] =	vst v5;
	v0 =	vmul.f32 $1.131370830e+01, v2;
	v2 =	vld [tilespmem:s1+$0x60]  }
0xeb: {  	p2 =	slt.u32 s6, $0x7E;
	v5 =	vld [tilespmem:s10+$0xFFFFFF80];
	[tilespmem:s13+$0xFFFFFFB0] =	vst v3;
	v1 =	vmul.f32 $1.131370830e+01, v1  }
0xec: {  	v3 =	vmul.f32 $1.131370830e+01, v7;
	v7 =	vld [tilespmem:s11+$0xFFFFFFA0];
	[tilespmem:s30+$0xFFFFFFD0] =	vst v0  }
0xed: {  	s16 =	sadd.s32 $0x100, s16;
	v0 =	vmul.f32 $1.131370830e+01, v6;
	v6 =	vld [tilespmem:s0+$0xFFFFFFC0];
	[tilespmem:s29+$0xFFFFFFF0] =	vst v1;
	s29 =	smov.u32 s30;
	s30 =	smov.u32 s13  }
0xee: {  	s13 =	smov.u32 s9;
	s9 =	smov.u32 s16;
	[tilespmem:s16+$0x0] =	vst v3;
	v1 =	vmul.f32 $1.131370830e+01, v4;
	v3 =	vld [tilespmem:s1+$0xFFFFFFE0]  }
0xef: {  	v4 =	vld [tilespmem:s10+$0x10];
	[tilespmem:s13+$0x20] =	vst v0;
	v0 =	vmul.f32 $1.131370830e+01, v2  }
0xf0: {  	v2 =	vmul.f32 $1.131370830e+01, v5;
	v8 =	vld [tilespmem:s11+$0x30];
	[tilespmem:s30+$0x40] =	vst v1  }
0xf1: {  	v1 =	vmul.f32 $1.131370830e+01, v7;
	v7 =	vld [tilespmem:s0+$0x50];
	[tilespmem:s29+$0x60] =	vst v0  }
.Ltmp3:
0xf2: {  	[tilespmem:s16+$0xFFFFFF80] =	vst v2;
	v2 =	vmul.f32 $1.131370830e+01, v6;
	v0 =	vld [tilespmem:s1+$0x70];
	(pc) =	sbr.rel @p2 .LBB2_5-.Ltmp3, $4  }
0xf3: {  	v5 =	vld [tilespmem:s10+$0xFFFFFF90];
	[tilespmem:s13+$0xFFFFFFA0] =	vst v1;
	v1 =	vmul.f32 $1.131370830e+01, v3  }
0xf4: {  	v3 =	vmul.f32 $1.131370830e+01, v4;
	v4 =	vld [tilespmem:s11+$0xFFFFFFB0];
	[tilespmem:s30+$0xFFFFFFC0] =	vst v2  }
0xf5: {  	v6 =	vmul.f32 $1.131370830e+01, v8;
	v2 =	vld [tilespmem:s0+$0xFFFFFFD0];
	[tilespmem:s29+$0xFFFFFFE0] =	vst v1  }
0xf6: {  	s10 =	sadd.s32 $0x100, s10;
	[tilespmem:s16+$0x10] =	vst v3;
	v3 =	vmul.f32 $1.131370830e+01, v7;
	v1 =	vld [tilespmem:s1+$0xFFFFFFF0];
	s1 =	smov.u32 s0;
	s0 =	smov.u32 s11  }
0xf7: {  	_ = 	snop  }
0xf8: {  	v5 =	vmul.f32 $1.131370830e+01, v5;
	_ =	sdelay $0x1  }
0xf9: {  	v7 =	vld [tilespmem:s15+$0x20];
	[tilespmem:s16+$0xFFFFFF90] =	vst v5  }
0xfa: {  	v5 =	vld [tilespmem:s15+$0xFFFFFFA0];
	_ =	sdelay $0x3  }
0xfb: {  	v7 =	vmul.f32 $1.131370830e+01, v7  }
0xfc: {  	v5 =	vmul.f32 $1.131370830e+01, v5  }
0xfd: {  	[tilespmem:s9+$0x20] =	vst v7  }
0xfe: {  	v7 =	vld [tilespmem:s15+$0x30];
	[tilespmem:s9+$0xFFFFFFA0] =	vst v5  }
0xff: {  	v5 =	vld [tilespmem:s15+$0xFFFFFFB0];
	_ =	sdelay $0x2  }
0x100: {  	v4 =	vmul.f32 $1.131370830e+01, v4  }
0x101: {  	[tilespmem:s13+$0x30] =	vst v6;
	v36 =	vmul.f32 $1.131370830e+01, v7  }
0x102: {  	v37 =	vld [tilespmem:s0+$0x40];
	[tilespmem:s13+$0xFFFFFFB0] =	vst v4;
	v38 =	vmul.f32 $1.131370830e+01, v5  }
0x103: {  	v39 =	vld [tilespmem:s0+$0xFFFFFFC0];
	[tilespmem:s9+$0x30] =	vst v36  }
0x104: {  	v6 =	vld [tilespmem:s15+$0x40];
	[tilespmem:s9+$0xFFFFFFB0] =	vst v38  }
0x105: {  	v4 =	vld [tilespmem:s15+$0xFFFFFFC0];
	_ =	sdelay $0x1  }
0x106: {  	v7 =	vmul.f32 $1.131370830e+01, v37  }
0x107: {  	v5 =	vmul.f32 $1.131370830e+01, v39  }
0x108: {  	[tilespmem:s13+$0x40] =	vst v7;
	v6 =	vmul.f32 $1.131370830e+01, v6  }
0x109: {  	v7 =	vld [tilespmem:s0+$0x50];
	[tilespmem:s13+$0xFFFFFFC0] =	vst v5;
	v4 =	vmul.f32 $1.131370830e+01, v4  }
0x10a: {  	v5 =	vld [tilespmem:s0+$0xFFFFFFD0];
	[tilespmem:s9+$0x40] =	vst v6  }
0x10b: {  	v6 =	vld [tilespmem:s15+$0x50];
	[tilespmem:s9+$0xFFFFFFC0] =	vst v4  }
0x10c: {  	v4 =	vld [tilespmem:s15+$0xFFFFFFD0]  }
0x10d: {  	v2 =	vmul.f32 $1.131370830e+01, v2  }
0x10e: {  	[tilespmem:s30+$0x50] =	vst v3;
	v40 =	vmul.f32 $1.131370830e+01, v7  }
0x10f: {  	v41 =	vld [tilespmem:s1+$0x60];
	[tilespmem:s30+$0xFFFFFFD0] =	vst v2;
	v42 =	vmul.f32 $1.131370830e+01, v5  }
0x110: {  	v43 =	vld [tilespmem:s1+$0xFFFFFFE0];
	[tilespmem:s13+$0x50] =	vst v40;
	v44 =	vmul.f32 $1.131370830e+01, v6  }
0x111: {  	v45 =	vld [tilespmem:s0+$0x60];
	[tilespmem:s13+$0xFFFFFFD0] =	vst v42;
	v46 =	vmul.f32 $1.131370830e+01, v4  }
0x112: {  	v47 =	vld [tilespmem:s0+$0xFFFFFFE0];
	[tilespmem:s9+$0x50] =	vst v44  }
0x113: {  	v3 =	vld [tilespmem:s15+$0x60];
	[tilespmem:s9+$0xFFFFFFD0] =	vst v46  }
0x114: {  	v48 =	vmul.f32 $1.131370830e+01, v41;
	v49 =	vld [tilespmem:s15+$0xFFFFFFE0]  }
0x115: {  	v5 =	vmul.f32 $1.131370830e+01, v43  }
0x116: {  	[tilespmem:s30+$0x60] =	vst v48;
	v50 =	vmul.f32 $1.131370830e+01, v45  }
0x117: {  	v51 =	vld [tilespmem:s1+$0x70];
	[tilespmem:s30+$0xFFFFFFE0] =	vst v5;
	v4 =	vmul.f32 $1.131370830e+01, v47  }
0x118: {  	v52 =	vld [tilespmem:s1+$0xFFFFFFF0];
	[tilespmem:s13+$0x60] =	vst v50;
	v3 =	vmul.f32 $1.131370830e+01, v3  }
0x119: {  	v53 =	vld [tilespmem:s0+$0x70];
	[tilespmem:s13+$0xFFFFFFE0] =	vst v4;
	v54 =	vmul.f32 $1.131370830e+01, v49  }
0x11a: {  	v0 =	vmul.f32 $1.131370830e+01, v0;
	v55 =	vld [tilespmem:s0+$0xFFFFFFF0];
	[tilespmem:s9+$0x60] =	vst v3  }
0x11b: {  	v1 =	vmul.f32 $1.131370830e+01, v1;
	v56 =	vld [tilespmem:s15+$0x70];
	[tilespmem:s9+$0xFFFFFFE0] =	vst v54  }
0x11c: {  	[tilespmem:s29+$0x70] =	vst v0;
	v57 =	vmul.f32 $1.131370830e+01, v51;
	v58 =	vld [tilespmem:s15+$0xFFFFFFF0]  }
0x11d: {  	[tilespmem:s29+$0xFFFFFFF0] =	vst v1;
	v59 =	vmul.f32 $1.131370830e+01, v52  }
0x11e: {  	[tilespmem:s30+$0x70] =	vst v57;
	v60 =	vmul.f32 $1.131370830e+01, v53  }
.Ltmp4:
0x11f: {  	[tilespmem:s30+$0xFFFFFFF0] =	vst v59;
	v61 =	vmul.f32 $1.131370830e+01, v55;
	(pc) =	sbr.rel @p1 .LBB2_12-.Ltmp4, $4  }
0x120: {  	[tilespmem:s13+$0x70] =	vst v60;
	v62 =	vmul.f32 $1.131370830e+01, v56  }
0x121: {  	[tilespmem:s13+$0xFFFFFFF0] =	vst v61;
	v63 =	vmul.f32 $1.131370830e+01, v58  }
0x122: {  	[tilespmem:s9+$0x70] =	vst v62  }
0x123: {  	[tilespmem:s9+$0xFFFFFFF0] =	vst v63  }
0x124: {  	s0 =	smul.u32 $0x600, s28  }
0x125: {  	s29 =	smul.u32 $0xC000, s28  }
0x126: {  	s30 =	sshra.s32 s0, $0x2  }
0x127: {  	s21 =	sadd.s32 s7, s29;
	s0 =	sadd.s32 $0x200, s30  }
0x128: {  	[tilespmem:s14], [sflag:$0x2] =	stream.indirect.gather [hbm4b:s2+s12], $0x80, s0, s12, $0xb8;
	[tilespmem:$0x19C00] =	vst v63  }
0x129: {  	s0 =	sshrl.u32 s21, $0x3  }
0x12a: {  	s0 =	sadd.s32 s3, s0  }
0x12b: {  	[hbm4b:s0+s4] =	stream.linear.scatter [tilespmem:s20], [sflag:$0x5], $0x4000, $0x38;
	[tilespmem:$0x19C00] =	vst v63  }
0x12c: {  	_ =	swait.ge [sflag:s24], $0x4000  }
0x12d: {  	[sflag:s24] =	ssyncset.done $0x0  }
0x12e: {  	s0 =	simm.s32 @!p0 $0x6;
	[sflag:s24] =	ssyncadd.s32 $0xFFFFC000  }
0x12f: {  	_ =	swait.ge @!p0 [sflag:s0], $0x4000  }
0x130: {  	[sflag:s0] =	ssyncset.done @!p0 $0x0  }
0x131: {  	s9 =	simm.s32 $0x9C80;
	[sflag:s0] =	ssyncadd.s32 @!p0 $0xFFFFC000  }
0x132: {  	v0 =	vld [tilespmem:s9+$0x0];
	_ =	sdelay $0x3  }
0x133: {  	v1 =	vld [tilespmem:s9+$0xFFFFFF80]  }
0x134: {  	v0 =	vmul.f32 $1.131370830e+01, v0  }
0x135: {  	s31 =	simm.s32 $0x15C80  }
0x136: {  	[tilespmem:s31+$0x0] =	vst v0  }
0x137: {  	v0 =	vld [tilespmem:s9+$0x10]  }
0x138: {  	v1 =	vmul.f32 $1.131370830e+01, v1;
	_ =	sdelay $0x1  }
0x139: {  	[tilespmem:s31+$0xFFFFFF80] =	vst v1  }
0x13a: {  	v1 =	vld [tilespmem:s9+$0xFFFFFF90]  }
0x13b: {  	v0 =	vmul.f32 $1.131370830e+01, v0  }
0x13c: {  	s0 =	simm.s32 $0x9D80  }
0x13d: {  	[tilespmem:s31+$0x10] =	vst v0;
	v0 =	vld [tilespmem:s0+$0x0]  }
0x13e: {  	v2 =	vld [tilespmem:s9+$0x20]  }
0x13f: {  	v1 =	vmul.f32 $1.131370830e+01, v1;
	_ =	sdelay $0x1  }
0x140: {  	[tilespmem:s31+$0xFFFFFF90] =	vst v1;
	v1 =	vld [tilespmem:s0+$0xFFFFFF80]  }
0x141: {  	v3 =	vld [tilespmem:s9+$0xFFFFFFA0];
	v0 =	vmul.f32 $1.131370830e+01, v0  }
0x142: {  	s1 =	simm.s32 $0x15D80;
	v2 =	vmul.f32 $1.131370830e+01, v2  }
0x143: {  	[tilespmem:s1+$0x0] =	vst v0  }
0x144: {  	v0 =	vld [tilespmem:s0+$0x10];
	[tilespmem:s31+$0x20] =	vst v2  }
0x145: {  	v1 =	vmul.f32 $1.131370830e+01, v1;
	v2 =	vld [tilespmem:s9+$0x30]  }
0x146: {  	v3 =	vmul.f32 $1.131370830e+01, v3  }
0x147: {  	[tilespmem:s1+$0xFFFFFF80] =	vst v1  }
0x148: {  	v1 =	vld [tilespmem:s0+$0xFFFFFF90];
	[tilespmem:s31+$0xFFFFFFA0] =	vst v3  }
0x149: {  	v3 =	vld [tilespmem:s9+$0xFFFFFFB0];
	v0 =	vmul.f32 $1.131370830e+01, v0  }
0x14a: {  	s13 =	simm.s32 $0x9E80;
	v2 =	vmul.f32 $1.131370830e+01, v2  }
0x14b: {  	[tilespmem:s1+$0x10] =	vst v0;
	v0 =	vld [tilespmem:s13+$0x0]  }
0x14c: {  	[tilespmem:s31+$0x30] =	vst v2;
	v2 =	vld [tilespmem:s0+$0x20]  }
0x14d: {  	v1 =	vmul.f32 $1.131370830e+01, v1;
	v4 =	vld [tilespmem:s9+$0x40]  }
0x14e: {  	v3 =	vmul.f32 $1.131370830e+01, v3  }
0x14f: {  	[tilespmem:s1+$0xFFFFFF90] =	vst v1;
	v1 =	vld [tilespmem:s13+$0xFFFFFF80]  }
0x150: {  	[tilespmem:s31+$0xFFFFFFB0] =	vst v3;
	v3 =	vld [tilespmem:s0+$0xFFFFFFA0];
	v0 =	vmul.f32 $1.131370830e+01, v0  }
0x151: {  	s15 =	simm.s32 $0x15E80;
	v5 =	vld [tilespmem:s9+$0xFFFFFFC0];
	v2 =	vmul.f32 $1.131370830e+01, v2  }
0x152: {  	[tilespmem:s15+$0x0] =	vst v0;
	v0 =	vmul.f32 $1.131370830e+01, v4  }
0x153: {  	v4 =	vld [tilespmem:s13+$0x10];
	[tilespmem:s1+$0x20] =	vst v2  }
0x154: {  	v1 =	vmul.f32 $1.131370830e+01, v1;
	v2 =	vld [tilespmem:s0+$0x30];
	[tilespmem:s31+$0x40] =	vst v0  }
0x155: {  	v0 =	vmul.f32 $1.131370830e+01, v3;
	v3 =	vld [tilespmem:s9+$0x50]  }
0x156: {  	[tilespmem:s15+$0xFFFFFF80] =	vst v1;
	v1 =	vmul.f32 $1.131370830e+01, v5  }
0x157: {  	v5 =	vld [tilespmem:s13+$0xFFFFFF90];
	[tilespmem:s1+$0xFFFFFFA0] =	vst v0  }
0x158: {  	[tilespmem:s31+$0xFFFFFFC0] =	vst v1;
	v0 =	vmul.f32 $1.131370830e+01, v4;
	v4 =	vld [tilespmem:s0+$0xFFFFFFB0]  }
0x159: {  	s16 =	simm.s32 $0x9F80;
	v1 =	vmul.f32 $1.131370830e+01, v2;
	v2 =	vld [tilespmem:s9+$0xFFFFFFD0]  }
0x15a: {  	[tilespmem:s15+$0x10] =	vst v0;
	v0 =	vmul.f32 $1.131370830e+01, v3;
	v3 =	vld [tilespmem:s16+$0x0]  }
0x15b: {  	[tilespmem:s1+$0x30] =	vst v1;
	v1 =	vld [tilespmem:s13+$0x20]  }
0x15c: {  	v5 =	vmul.f32 $1.131370830e+01, v5;
	[tilespmem:s31+$0x50] =	vst v0;
	v0 =	vld [tilespmem:s0+$0x40]  }
0x15d: {  	v4 =	vmul.f32 $1.131370830e+01, v4;
	v6 =	vld [tilespmem:s9+$0x60]  }
0x15e: {  	[tilespmem:s15+$0xFFFFFF90] =	vst v5;
	v5 =	vld [tilespmem:s16+$0xFFFFFF80];
	v2 =	vmul.f32 $1.131370830e+01, v2  }
0x15f: {  	[tilespmem:s1+$0xFFFFFFB0] =	vst v4;
	v3 =	vmul.f32 $1.131370830e+01, v3;
	v4 =	vld [tilespmem:s13+$0xFFFFFFA0]  }
0x160: {  	s6 =	simm.s32 $0x15F80;
	[tilespmem:s31+$0xFFFFFFD0] =	vst v2;
	v1 =	vmul.f32 $1.131370830e+01, v1;
	v2 =	vld [tilespmem:s0+$0xFFFFFFC0]  }
0x161: {  	[tilespmem:s6+$0x0] =	vst v3;
	v0 =	vmul.f32 $1.131370830e+01, v0;
	v3 =	vld [tilespmem:s9+$0xFFFFFFE0]  }
0x162: {  	v7 =	vld [tilespmem:s16+$0x10];
	[tilespmem:s15+$0x20] =	vst v1;
	v1 =	vmul.f32 $1.131370830e+01, v6  }
0x163: {  	v5 =	vmul.f32 $1.131370830e+01, v5;
	v6 =	vld [tilespmem:s13+$0x30];
	[tilespmem:s1+$0x40] =	vst v0  }
0x164: {  	v4 =	vmul.f32 $1.131370830e+01, v4;
	v8 =	vld [tilespmem:s0+$0x50];
	[tilespmem:s31+$0x60] =	vst v1  }
0x165: {  	[tilespmem:s6+$0xFFFFFF80] =	vst v5;
	v1 =	vmul.f32 $1.131370830e+01, v2;
	v0 =	vld [tilespmem:s9+$0x70]  }
0x166: {  	v5 =	vld [tilespmem:s16+$0xFFFFFF90];
	[tilespmem:s15+$0xFFFFFFA0] =	vst v4;
	v3 =	vmul.f32 $1.131370830e+01, v3  }
0x167: {  	v7 =	vmul.f32 $1.131370830e+01, v7;
	v4 =	vld [tilespmem:s13+$0xFFFFFFB0];
	[tilespmem:s1+$0xFFFFFFC0] =	vst v1  }
0x168: {  	v2 =	vld [tilespmem:s0+$0xFFFFFFD0];
	[tilespmem:s31+$0xFFFFFFE0] =	vst v3;
	v6 =	vmul.f32 $1.131370830e+01, v6  }
0x169: {  	s10 =	simm.s32 $0x6;
	s11 =	simm.s32 $0xA080;
	[tilespmem:s6+$0x10] =	vst v7;
	v3 =	vmul.f32 $1.131370830e+01, v8;
	v1 =	vld [tilespmem:s9+$0xFFFFFFF0];
	s9 =	simm.s32 $0x15F80  }
.LBB2_8:
0x16a: {  	v7 =	vld [tilespmem:s11+$0x0];
	[tilespmem:s15+$0x30] =	vst v6;
	v0 =	vmul.f32 $1.131370830e+01, v0;
	s21 =	smov.u32 s16;
	s16 =	smov.u32 s11  }
0x16b: {  	v5 =	vmul.f32 $1.131370830e+01, v5;
	v6 =	vld [tilespmem:s21+$0x20];
	[tilespmem:s1+$0x50] =	vst v3  }
0x16c: {  	v3 =	vmul.f32 $1.131370830e+01, v4;
	v4 =	vld [tilespmem:s13+$0x40];
	[tilespmem:s31+$0x70] =	vst v0  }
0x16d: {  	s10 =	sadd.s32 $0x2, s10;
	[tilespmem:s6+$0xFFFFFF90] =	vst v5;
	v0 =	vmul.f32 $1.131370830e+01, v2;
	v2 =	vld [tilespmem:s0+$0x60]  }
0x16e: {  	p0 =	slt.u32 s10, $0x7E;
	v5 =	vld [tilespmem:s11+$0xFFFFFF80];
	[tilespmem:s15+$0xFFFFFFB0] =	vst v3;
	v1 =	vmul.f32 $1.131370830e+01, v1  }
0x16f: {  	v3 =	vmul.f32 $1.131370830e+01, v7;
	v7 =	vld [tilespmem:s21+$0xFFFFFFA0];
	[tilespmem:s1+$0xFFFFFFD0] =	vst v0  }
0x170: {  	s6 =	sadd.s32 $0x100, s6;
	v0 =	vmul.f32 $1.131370830e+01, v6;
	v6 =	vld [tilespmem:s13+$0xFFFFFFC0];
	[tilespmem:s31+$0xFFFFFFF0] =	vst v1;
	s31 =	smov.u32 s1;
	s1 =	smov.u32 s15  }
0x171: {  	s15 =	smov.u32 s9;
	s9 =	smov.u32 s6;
	[tilespmem:s6+$0x0] =	vst v3;
	v1 =	vmul.f32 $1.131370830e+01, v4;
	v3 =	vld [tilespmem:s0+$0xFFFFFFE0]  }
0x172: {  	v4 =	vld [tilespmem:s11+$0x10];
	[tilespmem:s15+$0x20] =	vst v0;
	v0 =	vmul.f32 $1.131370830e+01, v2  }
0x173: {  	v2 =	vmul.f32 $1.131370830e+01, v5;
	v8 =	vld [tilespmem:s21+$0x30];
	[tilespmem:s1+$0x40] =	vst v1  }
0x174: {  	v1 =	vmul.f32 $1.131370830e+01, v7;
	v7 =	vld [tilespmem:s13+$0x50];
	[tilespmem:s31+$0x60] =	vst v0  }
.Ltmp5:
0x175: {  	[tilespmem:s6+$0xFFFFFF80] =	vst v2;
	v2 =	vmul.f32 $1.131370830e+01, v6;
	v0 =	vld [tilespmem:s0+$0x70];
	(pc) =	sbr.rel @p0 .LBB2_8-.Ltmp5, $4  }
0x176: {  	v5 =	vld [tilespmem:s11+$0xFFFFFF90];
	[tilespmem:s15+$0xFFFFFFA0] =	vst v1;
	v1 =	vmul.f32 $1.131370830e+01, v3  }
0x177: {  	v3 =	vmul.f32 $1.131370830e+01, v4;
	v4 =	vld [tilespmem:s21+$0xFFFFFFB0];
	[tilespmem:s1+$0xFFFFFFC0] =	vst v2  }
0x178: {  	v6 =	vmul.f32 $1.131370830e+01, v8;
	v2 =	vld [tilespmem:s13+$0xFFFFFFD0];
	[tilespmem:s31+$0xFFFFFFE0] =	vst v1  }
0x179: {  	s11 =	sadd.s32 $0x100, s11;
	[tilespmem:s6+$0x10] =	vst v3;
	v3 =	vmul.f32 $1.131370830e+01, v7;
	v1 =	vld [tilespmem:s0+$0xFFFFFFF0];
	s0 =	smov.u32 s13;
	s13 =	smov.u32 s21  }
0x17a: {  	_ = 	snop  }
0x17b: {  	v5 =	vmul.f32 $1.131370830e+01, v5;
	_ =	sdelay $0x1  }
0x17c: {  	v7 =	vld [tilespmem:s16+$0x20];
	[tilespmem:s6+$0xFFFFFF90] =	vst v5  }
0x17d: {  	v5 =	vld [tilespmem:s16+$0xFFFFFFA0];
	_ =	sdelay $0x3  }
0x17e: {  	v7 =	vmul.f32 $1.131370830e+01, v7  }
0x17f: {  	v5 =	vmul.f32 $1.131370830e+01, v5  }
0x180: {  	[tilespmem:s9+$0x20] =	vst v7  }
0x181: {  	v7 =	vld [tilespmem:s16+$0x30];
	[tilespmem:s9+$0xFFFFFFA0] =	vst v5  }
0x182: {  	v5 =	vld [tilespmem:s16+$0xFFFFFFB0];
	_ =	sdelay $0x2  }
0x183: {  	v4 =	vmul.f32 $1.131370830e+01, v4  }
0x184: {  	[tilespmem:s15+$0x30] =	vst v6;
	v36 =	vmul.f32 $1.131370830e+01, v7  }
0x185: {  	v37 =	vld [tilespmem:s13+$0x40];
	[tilespmem:s15+$0xFFFFFFB0] =	vst v4;
	v38 =	vmul.f32 $1.131370830e+01, v5  }
0x186: {  	v39 =	vld [tilespmem:s13+$0xFFFFFFC0];
	[tilespmem:s9+$0x30] =	vst v36  }
0x187: {  	v6 =	vld [tilespmem:s16+$0x40];
	[tilespmem:s9+$0xFFFFFFB0] =	vst v38  }
0x188: {  	v4 =	vld [tilespmem:s16+$0xFFFFFFC0];
	_ =	sdelay $0x1  }
0x189: {  	v7 =	vmul.f32 $1.131370830e+01, v37  }
0x18a: {  	v5 =	vmul.f32 $1.131370830e+01, v39  }
0x18b: {  	[tilespmem:s15+$0x40] =	vst v7;
	v6 =	vmul.f32 $1.131370830e+01, v6  }
0x18c: {  	v7 =	vld [tilespmem:s13+$0x50];
	[tilespmem:s15+$0xFFFFFFC0] =	vst v5;
	v4 =	vmul.f32 $1.131370830e+01, v4  }
0x18d: {  	v5 =	vld [tilespmem:s13+$0xFFFFFFD0];
	[tilespmem:s9+$0x40] =	vst v6  }
0x18e: {  	v6 =	vld [tilespmem:s16+$0x50];
	[tilespmem:s9+$0xFFFFFFC0] =	vst v4  }
0x18f: {  	v4 =	vld [tilespmem:s16+$0xFFFFFFD0]  }
0x190: {  	v2 =	vmul.f32 $1.131370830e+01, v2  }
0x191: {  	[tilespmem:s1+$0x50] =	vst v3;
	v40 =	vmul.f32 $1.131370830e+01, v7  }
0x192: {  	v41 =	vld [tilespmem:s0+$0x60];
	[tilespmem:s1+$0xFFFFFFD0] =	vst v2;
	v42 =	vmul.f32 $1.131370830e+01, v5  }
0x193: {  	v43 =	vld [tilespmem:s0+$0xFFFFFFE0];
	[tilespmem:s15+$0x50] =	vst v40;
	v44 =	vmul.f32 $1.131370830e+01, v6  }
0x194: {  	v45 =	vld [tilespmem:s13+$0x60];
	[tilespmem:s15+$0xFFFFFFD0] =	vst v42;
	v46 =	vmul.f32 $1.131370830e+01, v4  }
0x195: {  	v47 =	vld [tilespmem:s13+$0xFFFFFFE0];
	[tilespmem:s9+$0x50] =	vst v44  }
0x196: {  	v3 =	vld [tilespmem:s16+$0x60];
	[tilespmem:s9+$0xFFFFFFD0] =	vst v46  }
0x197: {  	v48 =	vmul.f32 $1.131370830e+01, v41;
	v49 =	vld [tilespmem:s16+$0xFFFFFFE0]  }
0x198: {  	v5 =	vmul.f32 $1.131370830e+01, v43  }
0x199: {  	[tilespmem:s1+$0x60] =	vst v48;
	v50 =	vmul.f32 $1.131370830e+01, v45  }
0x19a: {  	v51 =	vld [tilespmem:s0+$0x70];
	[tilespmem:s1+$0xFFFFFFE0] =	vst v5;
	v4 =	vmul.f32 $1.131370830e+01, v47  }
0x19b: {  	v52 =	vld [tilespmem:s0+$0xFFFFFFF0];
	[tilespmem:s15+$0x60] =	vst v50;
	v3 =	vmul.f32 $1.131370830e+01, v3  }
0x19c: {  	v53 =	vld [tilespmem:s13+$0x70];
	[tilespmem:s15+$0xFFFFFFE0] =	vst v4;
	v54 =	vmul.f32 $1.131370830e+01, v49  }
0x19d: {  	v0 =	vmul.f32 $1.131370830e+01, v0;
	v55 =	vld [tilespmem:s13+$0xFFFFFFF0];
	[tilespmem:s9+$0x60] =	vst v3  }
0x19e: {  	v1 =	vmul.f32 $1.131370830e+01, v1;
	v56 =	vld [tilespmem:s16+$0x70];
	[tilespmem:s9+$0xFFFFFFE0] =	vst v54  }
0x19f: {  	[tilespmem:s31+$0x70] =	vst v0;
	v57 =	vmul.f32 $1.131370830e+01, v51;
	v58 =	vld [tilespmem:s16+$0xFFFFFFF0]  }
0x1a0: {  	[tilespmem:s31+$0xFFFFFFF0] =	vst v1;
	v59 =	vmul.f32 $1.131370830e+01, v52  }
0x1a1: {  	[tilespmem:s1+$0x70] =	vst v57;
	v60 =	vmul.f32 $1.131370830e+01, v53  }
0x1a2: {  	[tilespmem:s1+$0xFFFFFFF0] =	vst v59;
	v61 =	vmul.f32 $1.131370830e+01, v55  }
0x1a3: {  	[tilespmem:s15+$0x70] =	vst v60;
	v62 =	vmul.f32 $1.131370830e+01, v56  }
0x1a4: {  	[tilespmem:s15+$0xFFFFFFF0] =	vst v61;
	v63 =	vmul.f32 $1.131370830e+01, v58  }
0x1a5: {  	p0 =	sgt.u32 s28, $0xE;
	s28 =	sadd.s32 $0x1, s28;
	[tilespmem:s9+$0x70] =	vst v62  }
0x1a6: {  	s6 =	simm.s32 @!p0 $0x9C00;
	s0 =	sadd.s32 @!p0 $0x280, s30;
	s1 =	simm.s32 @!p0 $0x80;
	[tilespmem:s9+$0xFFFFFFF0] =	vst v63  }
0x1a7: {  	[tilespmem:s6], [sflag:$0x3] =	stream.indirect.gather @!p0 [hbm4b:s2+s1], $0x80, s0, s1, $0xb8;
	[tilespmem:$0x19C00] =	vst v63  }
0x1a8: {  	p0 =	sne.s32 s28, $0x11  }
.Ltmp6:
0x1a9: {  	_ = 	snop;
	(pc) =	sbr.rel @p0 .LBB2_2-.Ltmp6, $4  }
.Ltmp7:
0x1aa: {  	s31 =	sadd.s32 s8, s29;
	(pc) =	sbr.rel @!p0 .LBB2_10-.Ltmp7, $4  }
0x1ab: {  	s0 =	sshrl.u32 s31, $0x3  }
0x1ac: {  	s0 =	sadd.s32 s3, s0  }
0x1ad: {  	[hbm4b:s0+s4] =	stream.linear.scatter [tilespmem:s25], [sflag:$0x6], $0x4000, $0x38;
	[tilespmem:$0x19C00] =	vst v63  }
0x1ae: {  	_ = 	snop  }
.LBB2_11:
0x1af: {  	_ =	sfence.sel $0x180000  }
0x1b0: {  	[bflag:$0x0] =	sbarrier.arrive $0xFFFF  }
0x1b1: {  	_ =	strace $0x90000047  }
0x1b2: {  	s0 =	stileid.u32;
	[bflag:$0x2] =	sbarrier.arrive $0xFFFF  }
0x1b3: {  	p0 =	sne.s32 s0, $0x0;
	s0 =	rddreg [dreg:$0x3]  }
0x1b4: {  	s0 =	sadd.s32 @!p0 $0x100000, s0  }
0x1b5: {  	[sflag:s0] =	ssyncadd.tile.s32 @!p0 $0x1;
	_ =	shalt  }
.Lfunc_end2:
_tile_overlayer_lowered:
.L_overlay_start_2:
0x1b6: {  	(tag) =	ssettag $0x2  }
0x1b7: {  	s0 =	rddreg [dreg:$0x0];
	s2 =	stileid.u32  }
0x1b8: {  	s1 =	rddreg [dreg:$0x1];
	p0 =	sne.s32 s2, $0x0  }
0x1b9: {  	s3 =	rddreg [dreg:$0x2];
	[bflag:$0x3] =	sbarrier.arrive $0xFFFF;
	s2 =	simm.s32 @!p0 $0x1C07  }
0x1ba: {  	[timem:s3], [sflag:s2] =	dma.local @!p0 [hbm:s0], s1  }
0x1bb: {  	s0 =	simm.s32 @!p0 $0x7  }
0x1bc: {  	_ =	swait.ge @!p0 [sflag:s0], s1  }
0x1bd: {  	s1 =	ssub.s32 @!p0 $0x0, s1;
	[sflag:s0] =	ssyncset.done @!p0 $0x0  }
0x1be: {  	[sflag:s0] =	ssyncadd.s32 @!p0 s1  }
0x1bf: {  	[bflag:$0x3] =	sbarrier.arrive $0xFFFF  }
0x1c0: {  	_ =	shalt  }

</sc_bundles>
